<compile_context>
chip_gen: v7x
topology: tpu7x:2x2x1
jax: 0.10.2.dev20260603
libtpu: 0.0.44.dev20260713+nightly
codegen_flags: <defaults>
</compile_context>

<pallas_src>
import functools

import jax
import jax.numpy as jnp
from jax import lax
from jax.experimental import pallas as pl
from jax.experimental.pallas import tpu as pltpu
from jax.experimental.pallas import tpu_sc as plsc

N = 100000
F = 128
G = 1000
W = 64
NWIN = (G + W - 1) // W
GP = NWIN * W
B1 = 4000
NT1 = N // B1
CH = 400
NCH = N // CH
NWORK = 32
EPS = 1e-5


def _h_body(x_ref, seg_ref, w1_ref, b1_ref, w2_ref, b2_ref,
            h_ref, q_ref, cnt_ref, qacc_ref, cacc_ref):
    i = pl.program_id(0)

    @pl.when(i == 0)
    def _init():
        qacc_ref[...] = jnp.zeros_like(qacc_ref)
        cacc_ref[...] = jnp.zeros_like(cacc_ref)

    x = x_ref[...]
    l1 = lax.dot_general(x, w1_ref[...], (((1,), (1,)), ((), ())),
                         preferred_element_type=jnp.float32) + b1_ref[...]
    l2 = lax.dot_general(x, w2_ref[...], (((1,), (1,)), ((), ())),
                         preferred_element_type=jnp.float32) + b2_ref[...]
    h = l1 * l2
    h_ref[...] = h
    qacc_ref[...] += jnp.sum(h * h, axis=0, keepdims=True)

    seg = seg_ref[0]
    lo = jnp.min(seg)
    hi = jnp.max(seg)
    iota_w = lax.broadcasted_iota(jnp.int32, (W, B1), 0)
    for k in range(NWIN):
        @pl.when((hi >= k * W) & (lo < (k + 1) * W))
        def _window(k=k):
            ohf = (iota_w == (seg - k * W)).astype(jnp.float32)
            cnt = jnp.sum(ohf, axis=1, keepdims=True)
            cacc_ref[k * W:(k + 1) * W, :] += jnp.broadcast_to(cnt, (W, F))

    @pl.when(i == NT1 - 1)
    def _fin():
        q_ref[...] = qacc_ref[...]
        cnt_ref[...] = cacc_ref[...]


def _h_stage(x, seg3, W1, b1, W2, b2):
    return pl.pallas_call(
        _h_body,
        grid=(NT1,),
        in_specs=[
            pl.BlockSpec((B1, F), lambda i: (i, 0)),
            pl.BlockSpec((1, 1, B1), lambda i: (i, 0, 0)),
            pl.BlockSpec((F, F), lambda i: (0, 0)),
            pl.BlockSpec((1, F), lambda i: (0, 0)),
            pl.BlockSpec((F, F), lambda i: (0, 0)),
            pl.BlockSpec((1, F), lambda i: (0, 0)),
        ],
        out_specs=[
            pl.BlockSpec((B1, F), lambda i: (i, 0)),
            pl.BlockSpec((1, F), lambda i: (0, 0)),
            pl.BlockSpec((GP, F), lambda i: (0, 0)),
        ],
        out_shape=[
            jax.ShapeDtypeStruct((N, F), jnp.float32),
            jax.ShapeDtypeStruct((1, F), jnp.float32),
            jax.ShapeDtypeStruct((GP, F), jnp.float32),
        ],
        scratch_shapes=[
            pltpu.VMEM((1, F), jnp.float32),
            pltpu.VMEM((GP, F), jnp.float32),
        ],
        compiler_params=pltpu.CompilerParams(
            dimension_semantics=("arbitrary",),
        ),
    )(x, seg3, W1, b1, W2, b2)


def _sc_segsum(h, seg, zeros_p):
    mesh = plsc.VectorSubcoreMesh(core_axis_name="c", subcore_axis_name="s")

    @functools.partial(
        pl.kernel,
        mesh=mesh,
        out_type=jax.ShapeDtypeStruct((2, GP, F), jnp.float32),
        scratch_types=[
            pltpu.VMEM((CH, F), jnp.float32),
            pltpu.VMEM((CH, F), jnp.float32),
            pltpu.VMEM((CH,), jnp.int32),
            pltpu.VMEM((CH,), jnp.int32),
            pltpu.VMEM_SHARED((GP, F), jnp.float32),
            pltpu.SemaphoreType.DMA,
            pltpu.SemaphoreType.DMA,
        ],
    )
    def k(h_hbm, seg_hbm, zp_hbm, p_out, hbuf0, hbuf1, idxbuf0, idxbuf1,
          accp, sem0, sem1):
        c = lax.axis_index("c")
        s = lax.axis_index("s")
        wid = s * 2 + c
        sems = (sem0, sem1)
        hbufs = (hbuf0, hbuf1)
        idxbufs = (idxbuf0, idxbuf1)

        pltpu.sync_copy(zp_hbm.at[pl.ds(s * 64, 64)],
                        accp.at[pl.ds(s * 64, 64)])
        plsc.subcore_barrier()

        nloc = (NCH + NWORK - 1) // NWORK

        def start_load(j, slot):
            cid = wid + NWORK * j

            @pl.when(cid < NCH)
            def _go():
                pltpu.async_copy(seg_hbm.at[pl.ds(cid * CH, CH)],
                                 idxbufs[slot], sems[slot])
                pltpu.async_copy(h_hbm.at[pl.ds(cid * CH, CH)],
                                 hbufs[slot], sems[slot])

        start_load(0, 0)
        for j in range(nloc):
            slot = j % 2
            if j + 1 < nloc:
                start_load(j + 1, (j + 1) % 2)
            cid = wid + NWORK * j

            @pl.when(cid < NCH)
            def _consume(slot=slot):
                pltpu.make_async_copy(seg_hbm.at[pl.ds(0, CH)],
                                      idxbufs[slot], sems[slot]).wait()
                pltpu.make_async_copy(h_hbm.at[pl.ds(0, CH)],
                                      hbufs[slot], sems[slot]).wait()
                pltpu.sync_copy(hbufs[slot], accp.at[idxbufs[slot]],
                                add=True)

        plsc.subcore_barrier()

        @pl.when(s == 0)
        def _readout():
            pltpu.sync_copy(accp, p_out.at[c])

    return k(h, seg, zeros_p)


def _fix_body(p_ref, c_ref, q_ref, g_ref, be_ref, out_ref):
    p = p_ref[0] + p_ref[1]
    inv_n = 1.0 / N
    mean = jnp.sum(p, axis=0, keepdims=True) * inv_n
    var = jnp.maximum(q_ref[...] * inv_n - mean * mean, 0.0)
    scale = g_ref[...] * lax.rsqrt(var + EPS)
    shift = be_ref[...] - mean * scale
    out_ref[...] = p[:G, :] * scale + c_ref[:G, :] * shift


def _fix_stage(p, cnt, q, gamma, beta):
    return pl.pallas_call(
        _fix_body,
        out_shape=jax.ShapeDtypeStruct((G, F), jnp.float32),
    )(p, cnt, q, gamma, beta)


@jax.jit
def _run(x, seg, seg3, W1, b1, W2, b2, gamma, beta):
    h, q, cnt = _h_stage(x, seg3, W1, b1, W2, b2)
    zeros_p = jnp.zeros((GP, F), jnp.float32)
    p = _sc_segsum(h, seg, zeros_p)
    return _fix_stage(p, cnt, q, gamma, beta)


def kernel(input, graph_indices, node_counts, W1, b1, W2, b2, gamma, beta):
    del node_counts
    seg = graph_indices.astype(jnp.int32)
    seg3 = seg.reshape(NT1, 1, B1)
    return _run(input, seg, seg3, W1, b1.reshape(1, F), W2, b2.reshape(1, F),
                gamma.reshape(1, F), beta.reshape(1, F))

# --- scband reference (transcript-rebuilt; emitter-appended) ---
"""Pipeline reference for scband-gated-pooling-62637803045232 (READ-ONLY COPY).

The authoritative reference and input builder live on the scoring server;
editing this copy changes nothing except your own understanding.
"""

import jax, jax.numpy as jnp
import numpy as np


def setup_inputs(seed: int = 0) -> dict:
    key = jax.random.key(seed)
    ks = jax.random.split(key, 8)
    N, F, G = 100000, 128, 1000
    inp = {}
    inp["input"] = jax.random.normal(ks[0], (N, F), dtype=jnp.float32)
    inp["graph_indices"] = jnp.sort(jax.random.randint(ks[1], (N,), 0, G, dtype=jnp.int32)).astype(jnp.int64)
    inp["node_counts"] = jnp.ones((G,), dtype=jnp.float32)
    s = 1.0 / np.sqrt(F)
    inp["W1"] = jax.random.uniform(ks[2], (F, F), dtype=jnp.float32, minval=-s, maxval=s)
    inp["b1"] = jax.random.uniform(ks[3], (F,), dtype=jnp.float32, minval=-s, maxval=s)
    inp["W2"] = jax.random.uniform(ks[4], (F, F), dtype=jnp.float32, minval=-s, maxval=s)
    inp["b2"] = jax.random.uniform(ks[5], (F,), dtype=jnp.float32, minval=-s, maxval=s)
    inp["gamma"] = jnp.ones((F,), dtype=jnp.float32)
    inp["beta"] = jnp.zeros((F,), dtype=jnp.float32)
    return inp


def reference(input, graph_indices, node_counts, W1, b1, W2, b2, gamma, beta):
    # gated linear: linear1(x) * linear2(x)
    h = (input @ W1.T + b1) * (input @ W2.T + b2)
    # BatchNorm1d in training mode: batch statistics, biased variance, eps=1e-5
    mean = jnp.mean(h, axis=0)
    var = jnp.var(h, axis=0)
    z = (h - mean) / jnp.sqrt(var + 1e-5) * gamma + beta
    # index_add_ pooling into per-graph sums (original discards the division result
    # and returns the unnormalized sum)
    G = node_counts.shape[0]
    out = jax.ops.segment_sum(z, graph_indices, num_segments=G)
    return out

if __name__ == "__main__":
    import jax
    _d = setup_inputs()
    print(jax.jit(kernel)(*tuple(_d.values())))

</pallas_src>

<mosaic_0001>
#map = affine_map<(d0, d1) -> (0, 0)>
#map1 = affine_map<(d0, d1) -> (0)>
#map2 = affine_map<(d0, d1) -> (0, 0, 0)>
module attributes {stable_mosaic.version = 14 : i64} {
  func.func @k(%arg0: i32, %arg1: i32, %arg2: memref<100000x128xf32, #tpu.memory_space<hbm>>, %arg3: memref<100000xi32, #tpu.memory_space<hbm>>, %arg4: memref<1024x128xf32, #tpu.memory_space<hbm>>, %arg5: memref<2x1024x128xf32, #tpu.memory_space<hbm>>, %arg6: memref<400x128xf32, #tpu.memory_space<vmem>>, %arg7: memref<400x128xf32, #tpu.memory_space<vmem>>, %arg8: memref<400xi32, #tpu.memory_space<vmem>>, %arg9: memref<400xi32, #tpu.memory_space<vmem>>, %arg10: memref<1024x128xf32, #tpu.memory_space<vmem_shared>>, %arg11: memref<!tpu.dma_semaphore, #tpu.memory_space<semaphore_mem>>, %arg12: memref<!tpu.dma_semaphore, #tpu.memory_space<semaphore_mem>>) attributes {dimension_semantics = [#tpu.dimension_semantics<core_parallel>, #tpu.dimension_semantics<subcore_parallel>], iteration_bounds = array<i64: 2, 16>, scalar_prefetch = 0 : i64, scratch_operands = 7 : i64, tpu.core_type = #tpu.core_type<sc_vector_subcore>, window_params = [{transform_indices = #map}, {transform_indices = #map1}, {transform_indices = #map}, {transform_indices = #map2}]} {
    %mul3A = arith.constant 2 : i32
    %mul3A_0 = arith.muli %arg1, %mul3A : i32
    %add3A = arith.addi %mul3A_0, %arg0 : i32
    %mul3A_1 = arith.constant 64 : i32
    %mul3A_2 = arith.muli %arg1, %mul3A_1 : i32
    %mul3A_3 = arith.constant 64 : i32
    %mul3A_4 = arith.muli %arg1, %mul3A_3 : i32
    "tpu.region"() ({
      %run_scoped3A = tpu.sem_alloc : memref<!tpu.dma_semaphore, #tpu.memory_space<semaphore_mem>>
      %dma_start3A = arith.constant 0 : i32
      %dma_start3A_119 = tpu.memref_slice %arg10[%mul3A_4, %dma_start3A] : memref<1024x128xf32, #tpu.memory_space<vmem_shared>> -> memref<64x128xf32, #tpu.memory_space<vmem_shared>>
      %dma_start3A_120 = arith.constant 0 : i32
      %dma_start3A_121 = tpu.memref_slice %arg4[%mul3A_2, %dma_start3A_120] : memref<1024x128xf32, #tpu.memory_space<hbm>> -> memref<64x128xf32, #tpu.memory_space<hbm>>
      tpu.enqueue_dma source(%dma_start3A_121 : memref<64x128xf32, #tpu.memory_space<hbm>>) target(%dma_start3A_119 : memref<64x128xf32, #tpu.memory_space<vmem_shared>>) target_semaphore(%run_scoped3A : memref<!tpu.dma_semaphore, #tpu.memory_space<semaphore_mem>>)
      %dma_wait3A = arith.constant 0 : i32
      %dma_wait3A_122 = tpu.memref_slice %arg10[%mul3A_4, %dma_wait3A] : memref<1024x128xf32, #tpu.memory_space<vmem_shared>> -> memref<64x128xf32, #tpu.memory_space<vmem_shared>>
      %dma_wait3A_123 = arith.constant 0 : i32
      %dma_wait3A_124 = tpu.memref_slice %arg4[%mul3A_2, %dma_wait3A_123] : memref<1024x128xf32, #tpu.memory_space<hbm>> -> memref<64x128xf32, #tpu.memory_space<hbm>>
      tpu.wait_dma2 semaphore(%run_scoped3A : memref<!tpu.dma_semaphore, #tpu.memory_space<semaphore_mem>>) src(%dma_wait3A_124 : memref<64x128xf32, #tpu.memory_space<hbm>>) dst(%dma_wait3A_122 : memref<64x128xf32, #tpu.memory_space<vmem_shared>>)
      tpu.yield
    }) : () -> ()
    %barrier3A = arith.constant 0 : index
    tpu.barrier barrier_id(%barrier3A)
    %add3A_5 = arith.constant 0 : i32
    %add3A_6 = arith.addi %add3A, %add3A_5 : i32
    %lt3A = arith.constant 250 : i32
    %lt3A_7 = arith.cmpi slt, %add3A_6, %lt3A : i32
    %convert_element_type3A = arith.extui %lt3A_7 : i1 to i32
    %cond3A = arith.constant 0 : i32
    %cond3A_8 = arith.cmpi ne, %convert_element_type3A, %cond3A : i32
    scf.if %cond3A_8 {
      %mul3A_119 = arith.constant 400 : i32
      %mul3A_120 = arith.muli %add3A_6, %mul3A_119 : i32
      %dma_start3A = tpu.memref_slice %arg3[%mul3A_120] : memref<100000xi32, #tpu.memory_space<hbm>> -> memref<400xi32, #tpu.memory_space<hbm>>
      %dma_start3A_121 = tpu.memref_slice %arg3[%mul3A_120] : memref<100000xi32, #tpu.memory_space<hbm>> -> memref<400xi32, #tpu.memory_space<hbm>>
      tpu.enqueue_dma source(%dma_start3A_121 : memref<400xi32, #tpu.memory_space<hbm>>) target(%arg8 : memref<400xi32, #tpu.memory_space<vmem>>) target_semaphore(%arg11 : memref<!tpu.dma_semaphore, #tpu.memory_space<semaphore_mem>>)
      %mul3A_122 = arith.constant 400 : i32
      %mul3A_123 = arith.muli %add3A_6, %mul3A_122 : i32
      %dma_start3A_124 = arith.constant 0 : i32
      %dma_start3A_125 = tpu.memref_slice %arg2[%mul3A_123, %dma_start3A_124] : memref<100000x128xf32, #tpu.memory_space<hbm>> -> memref<400x128xf32, #tpu.memory_space<hbm>>
      %dma_start3A_126 = arith.constant 0 : i32
      %dma_start3A_127 = tpu.memref_slice %arg2[%mul3A_123, %dma_start3A_126] : memref<100000x128xf32, #tpu.memory_space<hbm>> -> memref<400x128xf32, #tpu.memory_space<hbm>>
      tpu.enqueue_dma source(%dma_start3A_127 : memref<400x128xf32, #tpu.memory_space<hbm>>) target(%arg6 : memref<400x128xf32, #tpu.memory_space<vmem>>) target_semaphore(%arg11 : memref<!tpu.dma_semaphore, #tpu.memory_space<semaphore_mem>>)
    } else {
    }
    %add3A_9 = arith.constant 32 : i32
    %add3A_10 = arith.addi %add3A, %add3A_9 : i32
    %lt3A_11 = arith.constant 250 : i32
    %lt3A_12 = arith.cmpi slt, %add3A_10, %lt3A_11 : i32
    %convert_element_type3A_13 = arith.extui %lt3A_12 : i1 to i32
    %cond3A_14 = arith.constant 0 : i32
    %cond3A_15 = arith.cmpi ne, %convert_element_type3A_13, %cond3A_14 : i32
    scf.if %cond3A_15 {
      %mul3A_119 = arith.constant 400 : i32
      %mul3A_120 = arith.muli %add3A_10, %mul3A_119 : i32
      %dma_start3A = tpu.memref_slice %arg3[%mul3A_120] : memref<100000xi32, #tpu.memory_space<hbm>> -> memref<400xi32, #tpu.memory_space<hbm>>
      %dma_start3A_121 = tpu.memref_slice %arg3[%mul3A_120] : memref<100000xi32, #tpu.memory_space<hbm>> -> memref<400xi32, #tpu.memory_space<hbm>>
      tpu.enqueue_dma source(%dma_start3A_121 : memref<400xi32, #tpu.memory_space<hbm>>) target(%arg9 : memref<400xi32, #tpu.memory_space<vmem>>) target_semaphore(%arg12 : memref<!tpu.dma_semaphore, #tpu.memory_space<semaphore_mem>>)
      %mul3A_122 = arith.constant 400 : i32
      %mul3A_123 = arith.muli %add3A_10, %mul3A_122 : i32
      %dma_start3A_124 = arith.constant 0 : i32
      %dma_start3A_125 = tpu.memref_slice %arg2[%mul3A_123, %dma_start3A_124] : memref<100000x128xf32, #tpu.memory_space<hbm>> -> memref<400x128xf32, #tpu.memory_space<hbm>>
      %dma_start3A_126 = arith.constant 0 : i32
      %dma_start3A_127 = tpu.memref_slice %arg2[%mul3A_123, %dma_start3A_126] : memref<100000x128xf32, #tpu.memory_space<hbm>> -> memref<400x128xf32, #tpu.memory_space<hbm>>
      tpu.enqueue_dma source(%dma_start3A_127 : memref<400x128xf32, #tpu.memory_space<hbm>>) target(%arg7 : memref<400x128xf32, #tpu.memory_space<vmem>>) target_semaphore(%arg12 : memref<!tpu.dma_semaphore, #tpu.memory_space<semaphore_mem>>)
    } else {
    }
    %add3A_16 = arith.constant 0 : i32
    %add3A_17 = arith.addi %add3A, %add3A_16 : i32
    %lt3A_18 = arith.constant 250 : i32
    %lt3A_19 = arith.cmpi slt, %add3A_17, %lt3A_18 : i32
    %convert_element_type3A_20 = arith.extui %lt3A_19 : i1 to i32
    %cond3A_21 = arith.constant 0 : i32
    %cond3A_22 = arith.cmpi ne, %convert_element_type3A_20, %cond3A_21 : i32
    scf.if %cond3A_22 {
      %dma_wait3A = arith.constant 0 : i32
      %dma_wait3A_119 = tpu.memref_slice %arg3[%dma_wait3A] : memref<100000xi32, #tpu.memory_space<hbm>> -> memref<400xi32, #tpu.memory_space<hbm>>
      %dma_wait3A_120 = arith.constant 0 : i32
      %dma_wait3A_121 = tpu.memref_slice %arg3[%dma_wait3A_120] : memref<100000xi32, #tpu.memory_space<hbm>> -> memref<400xi32, #tpu.memory_space<hbm>>
      tpu.wait_dma2 semaphore(%arg11 : memref<!tpu.dma_semaphore, #tpu.memory_space<semaphore_mem>>) src(%dma_wait3A_121 : memref<400xi32, #tpu.memory_space<hbm>>) dst(%arg8 : memref<400xi32, #tpu.memory_space<vmem>>)
      %dma_wait3A_122 = arith.constant 0 : i32
      %dma_wait3A_123 = arith.constant 0 : i32
      %dma_wait3A_124 = tpu.memref_slice %arg2[%dma_wait3A_122, %dma_wait3A_123] : memref<100000x128xf32, #tpu.memory_space<hbm>> -> memref<400x128xf32, #tpu.memory_space<hbm>>
      %dma_wait3A_125 = arith.constant 0 : i32
      %dma_wait3A_126 = arith.constant 0 : i32
      %dma_wait3A_127 = tpu.memref_slice %arg2[%dma_wait3A_125, %dma_wait3A_126] : memref<100000x128xf32, #tpu.memory_space<hbm>> -> memref<400x128xf32, #tpu.memory_space<hbm>>
      tpu.wait_dma2 semaphore(%arg11 : memref<!tpu.dma_semaphore, #tpu.memory_space<semaphore_mem>>) src(%dma_wait3A_127 : memref<400x128xf32, #tpu.memory_space<hbm>>) dst(%arg6 : memref<400x128xf32, #tpu.memory_space<vmem>>)
      "tpu.region"() ({
        %run_scoped3A = tpu.sem_alloc : memref<!tpu.dma_semaphore, #tpu.memory_space<semaphore_mem>>
        %dma_start3A = arith.constant 0 : i32
        %dma_start3A_128 = arith.constant 0 : i32
        %dma_start3A_129 = tpu.memref_slice %arg10[%dma_start3A, %dma_start3A_128] : memref<1024x128xf32, #tpu.memory_space<vmem_shared>> -> memref<1024x128xf32, #tpu.memory_space<vmem_shared>>
        tpu.enqueue_indirect_dma source(%arg6 : memref<400x128xf32, #tpu.memory_space<vmem>>) target(%dma_start3A_129 : memref<1024x128xf32, #tpu.memory_space<vmem_shared>>) offsets(%arg8 : memref<400xi32, #tpu.memory_space<vmem>>) semaphore(%run_scoped3A : memref<!tpu.dma_semaphore, #tpu.memory_space<semaphore_mem>>) {add = true}
        %dma_wait3A_130 = arith.constant 0 : i32
        %dma_wait3A_131 = arith.constant 0 : i32
        %dma_wait3A_132 = tpu.memref_slice %arg10[%dma_wait3A_130, %dma_wait3A_131] : memref<1024x128xf32, #tpu.memory_space<vmem_shared>> -> memref<1024x128xf32, #tpu.memory_space<vmem_shared>>
        tpu.wait_indirect_dma semaphore(%run_scoped3A : memref<!tpu.dma_semaphore, #tpu.memory_space<semaphore_mem>>) src(%arg6 : memref<400x128xf32, #tpu.memory_space<vmem>>) dst(%dma_wait3A_132 : memref<1024x128xf32, #tpu.memory_space<vmem_shared>>)
        tpu.yield
      }) : () -> ()
    } else {
    }
    %add3A_23 = arith.constant 64 : i32
    %add3A_24 = arith.addi %add3A, %add3A_23 : i32
    %lt3A_25 = arith.constant 250 : i32
    %lt3A_26 = arith.cmpi slt, %add3A_24, %lt3A_25 : i32
    %convert_element_type3A_27 = arith.extui %lt3A_26 : i1 to i32
    %cond3A_28 = arith.constant 0 : i32
    %cond3A_29 = arith.cmpi ne, %convert_element_type3A_27, %cond3A_28 : i32
    scf.if %cond3A_29 {
      %mul3A_119 = arith.constant 400 : i32
      %mul3A_120 = arith.muli %add3A_24, %mul3A_119 : i32
      %dma_start3A = tpu.memref_slice %arg3[%mul3A_120] : memref<100000xi32, #tpu.memory_space<hbm>> -> memref<400xi32, #tpu.memory_space<hbm>>
      %dma_start3A_121 = tpu.memref_slice %arg3[%mul3A_120] : memref<100000xi32, #tpu.memory_space<hbm>> -> memref<400xi32, #tpu.memory_space<hbm>>
      tpu.enqueue_dma source(%dma_start3A_121 : memref<400xi32, #tpu.memory_space<hbm>>) target(%arg8 : memref<400xi32, #tpu.memory_space<vmem>>) target_semaphore(%arg11 : memref<!tpu.dma_semaphore, #tpu.memory_space<semaphore_mem>>)
      %mul3A_122 = arith.constant 400 : i32
      %mul3A_123 = arith.muli %add3A_24, %mul3A_122 : i32
      %dma_start3A_124 = arith.constant 0 : i32
      %dma_start3A_125 = tpu.memref_slice %arg2[%mul3A_123, %dma_start3A_124] : memref<100000x128xf32, #tpu.memory_space<hbm>> -> memref<400x128xf32, #tpu.memory_space<hbm>>
      %dma_start3A_126 = arith.constant 0 : i32
      %dma_start3A_127 = tpu.memref_slice %arg2[%mul3A_123, %dma_start3A_126] : memref<100000x128xf32, #tpu.memory_space<hbm>> -> memref<400x128xf32, #tpu.memory_space<hbm>>
      tpu.enqueue_dma source(%dma_start3A_127 : memref<400x128xf32, #tpu.memory_space<hbm>>) target(%arg6 : memref<400x128xf32, #tpu.memory_space<vmem>>) target_semaphore(%arg11 : memref<!tpu.dma_semaphore, #tpu.memory_space<semaphore_mem>>)
    } else {
    }
    %add3A_30 = arith.constant 32 : i32
    %add3A_31 = arith.addi %add3A, %add3A_30 : i32
    %lt3A_32 = arith.constant 250 : i32
    %lt3A_33 = arith.cmpi slt, %add3A_31, %lt3A_32 : i32
    %convert_element_type3A_34 = arith.extui %lt3A_33 : i1 to i32
    %cond3A_35 = arith.constant 0 : i32
    %cond3A_36 = arith.cmpi ne, %convert_element_type3A_34, %cond3A_35 : i32
    scf.if %cond3A_36 {
      %dma_wait3A = arith.constant 0 : i32
      %dma_wait3A_119 = tpu.memref_slice %arg3[%dma_wait3A] : memref<100000xi32, #tpu.memory_space<hbm>> -> memref<400xi32, #tpu.memory_space<hbm>>
      %dma_wait3A_120 = arith.constant 0 : i32
      %dma_wait3A_121 = tpu.memref_slice %arg3[%dma_wait3A_120] : memref<100000xi32, #tpu.memory_space<hbm>> -> memref<400xi32, #tpu.memory_space<hbm>>
      tpu.wait_dma2 semaphore(%arg12 : memref<!tpu.dma_semaphore, #tpu.memory_space<semaphore_mem>>) src(%dma_wait3A_121 : memref<400xi32, #tpu.memory_space<hbm>>) dst(%arg9 : memref<400xi32, #tpu.memory_space<vmem>>)
      %dma_wait3A_122 = arith.constant 0 : i32
      %dma_wait3A_123 = arith.constant 0 : i32
      %dma_wait3A_124 = tpu.memref_slice %arg2[%dma_wait3A_122, %dma_wait3A_123] : memref<100000x128xf32, #tpu.memory_space<hbm>> -> memref<400x128xf32, #tpu.memory_space<hbm>>
      %dma_wait3A_125 = arith.constant 0 : i32
      %dma_wait3A_126 = arith.constant 0 : i32
      %dma_wait3A_127 = tpu.memref_slice %arg2[%dma_wait3A_125, %dma_wait3A_126] : memref<100000x128xf32, #tpu.memory_space<hbm>> -> memref<400x128xf32, #tpu.memory_space<hbm>>
      tpu.wait_dma2 semaphore(%arg12 : memref<!tpu.dma_semaphore, #tpu.memory_space<semaphore_mem>>) src(%dma_wait3A_127 : memref<400x128xf32, #tpu.memory_space<hbm>>) dst(%arg7 : memref<400x128xf32, #tpu.memory_space<vmem>>)
      "tpu.region"() ({
        %run_scoped3A = tpu.sem_alloc : memref<!tpu.dma_semaphore, #tpu.memory_space<semaphore_mem>>
        %dma_start3A = arith.constant 0 : i32
        %dma_start3A_128 = arith.constant 0 : i32
        %dma_start3A_129 = tpu.memref_slice %arg10[%dma_start3A, %dma_start3A_128] : memref<1024x128xf32, #tpu.memory_space<vmem_shared>> -> memref<1024x128xf32, #tpu.memory_space<vmem_shared>>
        tpu.enqueue_indirect_dma source(%arg7 : memref<400x128xf32, #tpu.memory_space<vmem>>) target(%dma_start3A_129 : memref<1024x128xf32, #tpu.memory_space<vmem_shared>>) offsets(%arg9 : memref<400xi32, #tpu.memory_space<vmem>>) semaphore(%run_scoped3A : memref<!tpu.dma_semaphore, #tpu.memory_space<semaphore_mem>>) {add = true}
        %dma_wait3A_130 = arith.constant 0 : i32
        %dma_wait3A_131 = arith.constant 0 : i32
        %dma_wait3A_132 = tpu.memref_slice %arg10[%dma_wait3A_130, %dma_wait3A_131] : memref<1024x128xf32, #tpu.memory_space<vmem_shared>> -> memref<1024x128xf32, #tpu.memory_space<vmem_shared>>
        tpu.wait_indirect_dma semaphore(%run_scoped3A : memref<!tpu.dma_semaphore, #tpu.memory_space<semaphore_mem>>) src(%arg7 : memref<400x128xf32, #tpu.memory_space<vmem>>) dst(%dma_wait3A_132 : memref<1024x128xf32, #tpu.memory_space<vmem_shared>>)
        tpu.yield
      }) : () -> ()
    } else {
    }
    %add3A_37 = arith.constant 96 : i32
    %add3A_38 = arith.addi %add3A, %add3A_37 : i32
    %lt3A_39 = arith.constant 250 : i32
    %lt3A_40 = arith.cmpi slt, %add3A_38, %lt3A_39 : i32
    %convert_element_type3A_41 = arith.extui %lt3A_40 : i1 to i32
    %cond3A_42 = arith.constant 0 : i32
    %cond3A_43 = arith.cmpi ne, %convert_element_type3A_41, %cond3A_42 : i32
    scf.if %cond3A_43 {
      %mul3A_119 = arith.constant 400 : i32
      %mul3A_120 = arith.muli %add3A_38, %mul3A_119 : i32
      %dma_start3A = tpu.memref_slice %arg3[%mul3A_120] : memref<100000xi32, #tpu.memory_space<hbm>> -> memref<400xi32, #tpu.memory_space<hbm>>
      %dma_start3A_121 = tpu.memref_slice %arg3[%mul3A_120] : memref<100000xi32, #tpu.memory_space<hbm>> -> memref<400xi32, #tpu.memory_space<hbm>>
      tpu.enqueue_dma source(%dma_start3A_121 : memref<400xi32, #tpu.memory_space<hbm>>) target(%arg9 : memref<400xi32, #tpu.memory_space<vmem>>) target_semaphore(%arg12 : memref<!tpu.dma_semaphore, #tpu.memory_space<semaphore_mem>>)
      %mul3A_122 = arith.constant 400 : i32
      %mul3A_123 = arith.muli %add3A_38, %mul3A_122 : i32
      %dma_start3A_124 = arith.constant 0 : i32
      %dma_start3A_125 = tpu.memref_slice %arg2[%mul3A_123, %dma_start3A_124] : memref<100000x128xf32, #tpu.memory_space<hbm>> -> memref<400x128xf32, #tpu.memory_space<hbm>>
      %dma_start3A_126 = arith.constant 0 : i32
      %dma_start3A_127 = tpu.memref_slice %arg2[%mul3A_123, %dma_start3A_126] : memref<100000x128xf32, #tpu.memory_space<hbm>> -> memref<400x128xf32, #tpu.memory_space<hbm>>
      tpu.enqueue_dma source(%dma_start3A_127 : memref<400x128xf32, #tpu.memory_space<hbm>>) target(%arg7 : memref<400x128xf32, #tpu.memory_space<vmem>>) target_semaphore(%arg12 : memref<!tpu.dma_semaphore, #tpu.memory_space<semaphore_mem>>)
    } else {
    }
    %add3A_44 = arith.constant 64 : i32
    %add3A_45 = arith.addi %add3A, %add3A_44 : i32
    %lt3A_46 = arith.constant 250 : i32
    %lt3A_47 = arith.cmpi slt, %add3A_45, %lt3A_46 : i32
    %convert_element_type3A_48 = arith.extui %lt3A_47 : i1 to i32
    %cond3A_49 = arith.constant 0 : i32
    %cond3A_50 = arith.cmpi ne, %convert_element_type3A_48, %cond3A_49 : i32
    scf.if %cond3A_50 {
      %dma_wait3A = arith.constant 0 : i32
      %dma_wait3A_119 = tpu.memref_slice %arg3[%dma_wait3A] : memref<100000xi32, #tpu.memory_space<hbm>> -> memref<400xi32, #tpu.memory_space<hbm>>
      %dma_wait3A_120 = arith.constant 0 : i32
      %dma_wait3A_121 = tpu.memref_slice %arg3[%dma_wait3A_120] : memref<100000xi32, #tpu.memory_space<hbm>> -> memref<400xi32, #tpu.memory_space<hbm>>
      tpu.wait_dma2 semaphore(%arg11 : memref<!tpu.dma_semaphore, #tpu.memory_space<semaphore_mem>>) src(%dma_wait3A_121 : memref<400xi32, #tpu.memory_space<hbm>>) dst(%arg8 : memref<400xi32, #tpu.memory_space<vmem>>)
      %dma_wait3A_122 = arith.constant 0 : i32
      %dma_wait3A_123 = arith.constant 0 : i32
      %dma_wait3A_124 = tpu.memref_slice %arg2[%dma_wait3A_122, %dma_wait3A_123] : memref<100000x128xf32, #tpu.memory_space<hbm>> -> memref<400x128xf32, #tpu.memory_space<hbm>>
      %dma_wait3A_125 = arith.constant 0 : i32
      %dma_wait3A_126 = arith.constant 0 : i32
      %dma_wait3A_127 = tpu.memref_slice %arg2[%dma_wait3A_125, %dma_wait3A_126] : memref<100000x128xf32, #tpu.memory_space<hbm>> -> memref<400x128xf32, #tpu.memory_space<hbm>>
      tpu.wait_dma2 semaphore(%arg11 : memref<!tpu.dma_semaphore, #tpu.memory_space<semaphore_mem>>) src(%dma_wait3A_127 : memref<400x128xf32, #tpu.memory_space<hbm>>) dst(%arg6 : memref<400x128xf32, #tpu.memory_space<vmem>>)
      "tpu.region"() ({
        %run_scoped3A = tpu.sem_alloc : memref<!tpu.dma_semaphore, #tpu.memory_space<semaphore_mem>>
        %dma_start3A = arith.constant 0 : i32
        %dma_start3A_128 = arith.constant 0 : i32
        %dma_start3A_129 = tpu.memref_slice %arg10[%dma_start3A, %dma_start3A_128] : memref<1024x128xf32, #tpu.memory_space<vmem_shared>> -> memref<1024x128xf32, #tpu.memory_space<vmem_shared>>
        tpu.enqueue_indirect_dma source(%arg6 : memref<400x128xf32, #tpu.memory_space<vmem>>) target(%dma_start3A_129 : memref<1024x128xf32, #tpu.memory_space<vmem_shared>>) offsets(%arg8 : memref<400xi32, #tpu.memory_space<vmem>>) semaphore(%run_scoped3A : memref<!tpu.dma_semaphore, #tpu.memory_space<semaphore_mem>>) {add = true}
        %dma_wait3A_130 = arith.constant 0 : i32
        %dma_wait3A_131 = arith.constant 0 : i32
        %dma_wait3A_132 = tpu.memref_slice %arg10[%dma_wait3A_130, %dma_wait3A_131] : memref<1024x128xf32, #tpu.memory_space<vmem_shared>> -> memref<1024x128xf32, #tpu.memory_space<vmem_shared>>
        tpu.wait_indirect_dma semaphore(%run_scoped3A : memref<!tpu.dma_semaphore, #tpu.memory_space<semaphore_mem>>) src(%arg6 : memref<400x128xf32, #tpu.memory_space<vmem>>) dst(%dma_wait3A_132 : memref<1024x128xf32, #tpu.memory_space<vmem_shared>>)
        tpu.yield
      }) : () -> ()
    } else {
    }
    %add3A_51 = arith.constant 128 : i32
    %add3A_52 = arith.addi %add3A, %add3A_51 : i32
    %lt3A_53 = arith.constant 250 : i32
    %lt3A_54 = arith.cmpi slt, %add3A_52, %lt3A_53 : i32
    %convert_element_type3A_55 = arith.extui %lt3A_54 : i1 to i32
    %cond3A_56 = arith.constant 0 : i32
    %cond3A_57 = arith.cmpi ne, %convert_element_type3A_55, %cond3A_56 : i32
    scf.if %cond3A_57 {
      %mul3A_119 = arith.constant 400 : i32
      %mul3A_120 = arith.muli %add3A_52, %mul3A_119 : i32
      %dma_start3A = tpu.memref_slice %arg3[%mul3A_120] : memref<100000xi32, #tpu.memory_space<hbm>> -> memref<400xi32, #tpu.memory_space<hbm>>
      %dma_start3A_121 = tpu.memref_slice %arg3[%mul3A_120] : memref<100000xi32, #tpu.memory_space<hbm>> -> memref<400xi32, #tpu.memory_space<hbm>>
      tpu.enqueue_dma source(%dma_start3A_121 : memref<400xi32, #tpu.memory_space<hbm>>) target(%arg8 : memref<400xi32, #tpu.memory_space<vmem>>) target_semaphore(%arg11 : memref<!tpu.dma_semaphore, #tpu.memory_space<semaphore_mem>>)
      %mul3A_122 = arith.constant 400 : i32
      %mul3A_123 = arith.muli %add3A_52, %mul3A_122 : i32
      %dma_start3A_124 = arith.constant 0 : i32
      %dma_start3A_125 = tpu.memref_slice %arg2[%mul3A_123, %dma_start3A_124] : memref<100000x128xf32, #tpu.memory_space<hbm>> -> memref<400x128xf32, #tpu.memory_space<hbm>>
      %dma_start3A_126 = arith.constant 0 : i32
      %dma_start3A_127 = tpu.memref_slice %arg2[%mul3A_123, %dma_start3A_126] : memref<100000x128xf32, #tpu.memory_space<hbm>> -> memref<400x128xf32, #tpu.memory_space<hbm>>
      tpu.enqueue_dma source(%dma_start3A_127 : memref<400x128xf32, #tpu.memory_space<hbm>>) target(%arg6 : memref<400x128xf32, #tpu.memory_space<vmem>>) target_semaphore(%arg11 : memref<!tpu.dma_semaphore, #tpu.memory_space<semaphore_mem>>)
    } else {
    }
    %add3A_58 = arith.constant 96 : i32
    %add3A_59 = arith.addi %add3A, %add3A_58 : i32
    %lt3A_60 = arith.constant 250 : i32
    %lt3A_61 = arith.cmpi slt, %add3A_59, %lt3A_60 : i32
    %convert_element_type3A_62 = arith.extui %lt3A_61 : i1 to i32
    %cond3A_63 = arith.constant 0 : i32
    %cond3A_64 = arith.cmpi ne, %convert_element_type3A_62, %cond3A_63 : i32
    scf.if %cond3A_64 {
      %dma_wait3A = arith.constant 0 : i32
      %dma_wait3A_119 = tpu.memref_slice %arg3[%dma_wait3A] : memref<100000xi32, #tpu.memory_space<hbm>> -> memref<400xi32, #tpu.memory_space<hbm>>
      %dma_wait3A_120 = arith.constant 0 : i32
      %dma_wait3A_121 = tpu.memref_slice %arg3[%dma_wait3A_120] : memref<100000xi32, #tpu.memory_space<hbm>> -> memref<400xi32, #tpu.memory_space<hbm>>
      tpu.wait_dma2 semaphore(%arg12 : memref<!tpu.dma_semaphore, #tpu.memory_space<semaphore_mem>>) src(%dma_wait3A_121 : memref<400xi32, #tpu.memory_space<hbm>>) dst(%arg9 : memref<400xi32, #tpu.memory_space<vmem>>)
      %dma_wait3A_122 = arith.constant 0 : i32
      %dma_wait3A_123 = arith.constant 0 : i32
      %dma_wait3A_124 = tpu.memref_slice %arg2[%dma_wait3A_122, %dma_wait3A_123] : memref<100000x128xf32, #tpu.memory_space<hbm>> -> memref<400x128xf32, #tpu.memory_space<hbm>>
      %dma_wait3A_125 = arith.constant 0 : i32
      %dma_wait3A_126 = arith.constant 0 : i32
      %dma_wait3A_127 = tpu.memref_slice %arg2[%dma_wait3A_125, %dma_wait3A_126] : memref<100000x128xf32, #tpu.memory_space<hbm>> -> memref<400x128xf32, #tpu.memory_space<hbm>>
      tpu.wait_dma2 semaphore(%arg12 : memref<!tpu.dma_semaphore, #tpu.memory_space<semaphore_mem>>) src(%dma_wait3A_127 : memref<400x128xf32, #tpu.memory_space<hbm>>) dst(%arg7 : memref<400x128xf32, #tpu.memory_space<vmem>>)
      "tpu.region"() ({
        %run_scoped3A = tpu.sem_alloc : memref<!tpu.dma_semaphore, #tpu.memory_space<semaphore_mem>>
        %dma_start3A = arith.constant 0 : i32
        %dma_start3A_128 = arith.constant 0 : i32
        %dma_start3A_129 = tpu.memref_slice %arg10[%dma_start3A, %dma_start3A_128] : memref<1024x128xf32, #tpu.memory_space<vmem_shared>> -> memref<1024x128xf32, #tpu.memory_space<vmem_shared>>
        tpu.enqueue_indirect_dma source(%arg7 : memref<400x128xf32, #tpu.memory_space<vmem>>) target(%dma_start3A_129 : memref<1024x128xf32, #tpu.memory_space<vmem_shared>>) offsets(%arg9 : memref<400xi32, #tpu.memory_space<vmem>>) semaphore(%run_scoped3A : memref<!tpu.dma_semaphore, #tpu.memory_space<semaphore_mem>>) {add = true}
        %dma_wait3A_130 = arith.constant 0 : i32
        %dma_wait3A_131 = arith.constant 0 : i32
        %dma_wait3A_132 = tpu.memref_slice %arg10[%dma_wait3A_130, %dma_wait3A_131] : memref<1024x128xf32, #tpu.memory_space<vmem_shared>> -> memref<1024x128xf32, #tpu.memory_space<vmem_shared>>
        tpu.wait_indirect_dma semaphore(%run_scoped3A : memref<!tpu.dma_semaphore, #tpu.memory_space<semaphore_mem>>) src(%arg7 : memref<400x128xf32, #tpu.memory_space<vmem>>) dst(%dma_wait3A_132 : memref<1024x128xf32, #tpu.memory_space<vmem_shared>>)
        tpu.yield
      }) : () -> ()
    } else {
    }
    %add3A_65 = arith.constant 160 : i32
    %add3A_66 = arith.addi %add3A, %add3A_65 : i32
    %lt3A_67 = arith.constant 250 : i32
    %lt3A_68 = arith.cmpi slt, %add3A_66, %lt3A_67 : i32
    %convert_element_type3A_69 = arith.extui %lt3A_68 : i1 to i32
    %cond3A_70 = arith.constant 0 : i32
    %cond3A_71 = arith.cmpi ne, %convert_element_type3A_69, %cond3A_70 : i32
    scf.if %cond3A_71 {
      %mul3A_119 = arith.constant 400 : i32
      %mul3A_120 = arith.muli %add3A_66, %mul3A_119 : i32
      %dma_start3A = tpu.memref_slice %arg3[%mul3A_120] : memref<100000xi32, #tpu.memory_space<hbm>> -> memref<400xi32, #tpu.memory_space<hbm>>
      %dma_start3A_121 = tpu.memref_slice %arg3[%mul3A_120] : memref<100000xi32, #tpu.memory_space<hbm>> -> memref<400xi32, #tpu.memory_space<hbm>>
      tpu.enqueue_dma source(%dma_start3A_121 : memref<400xi32, #tpu.memory_space<hbm>>) target(%arg9 : memref<400xi32, #tpu.memory_space<vmem>>) target_semaphore(%arg12 : memref<!tpu.dma_semaphore, #tpu.memory_space<semaphore_mem>>)
      %mul3A_122 = arith.constant 400 : i32
      %mul3A_123 = arith.muli %add3A_66, %mul3A_122 : i32
      %dma_start3A_124 = arith.constant 0 : i32
      %dma_start3A_125 = tpu.memref_slice %arg2[%mul3A_123, %dma_start3A_124] : memref<100000x128xf32, #tpu.memory_space<hbm>> -> memref<400x128xf32, #tpu.memory_space<hbm>>
      %dma_start3A_126 = arith.constant 0 : i32
      %dma_start3A_127 = tpu.memref_slice %arg2[%mul3A_123, %dma_start3A_126] : memref<100000x128xf32, #tpu.memory_space<hbm>> -> memref<400x128xf32, #tpu.memory_space<hbm>>
      tpu.enqueue_dma source(%dma_start3A_127 : memref<400x128xf32, #tpu.memory_space<hbm>>) target(%arg7 : memref<400x128xf32, #tpu.memory_space<vmem>>) target_semaphore(%arg12 : memref<!tpu.dma_semaphore, #tpu.memory_space<semaphore_mem>>)
    } else {
    }
    %add3A_72 = arith.constant 128 : i32
    %add3A_73 = arith.addi %add3A, %add3A_72 : i32
    %lt3A_74 = arith.constant 250 : i32
    %lt3A_75 = arith.cmpi slt, %add3A_73, %lt3A_74 : i32
    %convert_element_type3A_76 = arith.extui %lt3A_75 : i1 to i32
    %cond3A_77 = arith.constant 0 : i32
    %cond3A_78 = arith.cmpi ne, %convert_element_type3A_76, %cond3A_77 : i32
    scf.if %cond3A_78 {
      %dma_wait3A = arith.constant 0 : i32
      %dma_wait3A_119 = tpu.memref_slice %arg3[%dma_wait3A] : memref<100000xi32, #tpu.memory_space<hbm>> -> memref<400xi32, #tpu.memory_space<hbm>>
      %dma_wait3A_120 = arith.constant 0 : i32
      %dma_wait3A_121 = tpu.memref_slice %arg3[%dma_wait3A_120] : memref<100000xi32, #tpu.memory_space<hbm>> -> memref<400xi32, #tpu.memory_space<hbm>>
      tpu.wait_dma2 semaphore(%arg11 : memref<!tpu.dma_semaphore, #tpu.memory_space<semaphore_mem>>) src(%dma_wait3A_121 : memref<400xi32, #tpu.memory_space<hbm>>) dst(%arg8 : memref<400xi32, #tpu.memory_space<vmem>>)
      %dma_wait3A_122 = arith.constant 0 : i32
      %dma_wait3A_123 = arith.constant 0 : i32
      %dma_wait3A_124 = tpu.memref_slice %arg2[%dma_wait3A_122, %dma_wait3A_123] : memref<100000x128xf32, #tpu.memory_space<hbm>> -> memref<400x128xf32, #tpu.memory_space<hbm>>
      %dma_wait3A_125 = arith.constant 0 : i32
      %dma_wait3A_126 = arith.constant 0 : i32
      %dma_wait3A_127 = tpu.memref_slice %arg2[%dma_wait3A_125, %dma_wait3A_126] : memref<100000x128xf32, #tpu.memory_space<hbm>> -> memref<400x128xf32, #tpu.memory_space<hbm>>
      tpu.wait_dma2 semaphore(%arg11 : memref<!tpu.dma_semaphore, #tpu.memory_space<semaphore_mem>>) src(%dma_wait3A_127 : memref<400x128xf32, #tpu.memory_space<hbm>>) dst(%arg6 : memref<400x128xf32, #tpu.memory_space<vmem>>)
      "tpu.region"() ({
        %run_scoped3A = tpu.sem_alloc : memref<!tpu.dma_semaphore, #tpu.memory_space<semaphore_mem>>
        %dma_start3A = arith.constant 0 : i32
        %dma_start3A_128 = arith.constant 0 : i32
        %dma_start3A_129 = tpu.memref_slice %arg10[%dma_start3A, %dma_start3A_128] : memref<1024x128xf32, #tpu.memory_space<vmem_shared>> -> memref<1024x128xf32, #tpu.memory_space<vmem_shared>>
        tpu.enqueue_indirect_dma source(%arg6 : memref<400x128xf32, #tpu.memory_space<vmem>>) target(%dma_start3A_129 : memref<1024x128xf32, #tpu.memory_space<vmem_shared>>) offsets(%arg8 : memref<400xi32, #tpu.memory_space<vmem>>) semaphore(%run_scoped3A : memref<!tpu.dma_semaphore, #tpu.memory_space<semaphore_mem>>) {add = true}
        %dma_wait3A_130 = arith.constant 0 : i32
        %dma_wait3A_131 = arith.constant 0 : i32
        %dma_wait3A_132 = tpu.memref_slice %arg10[%dma_wait3A_130, %dma_wait3A_131] : memref<1024x128xf32, #tpu.memory_space<vmem_shared>> -> memref<1024x128xf32, #tpu.memory_space<vmem_shared>>
        tpu.wait_indirect_dma semaphore(%run_scoped3A : memref<!tpu.dma_semaphore, #tpu.memory_space<semaphore_mem>>) src(%arg6 : memref<400x128xf32, #tpu.memory_space<vmem>>) dst(%dma_wait3A_132 : memref<1024x128xf32, #tpu.memory_space<vmem_shared>>)
        tpu.yield
      }) : () -> ()
    } else {
    }
    %add3A_79 = arith.constant 192 : i32
    %add3A_80 = arith.addi %add3A, %add3A_79 : i32
    %lt3A_81 = arith.constant 250 : i32
    %lt3A_82 = arith.cmpi slt, %add3A_80, %lt3A_81 : i32
    %convert_element_type3A_83 = arith.extui %lt3A_82 : i1 to i32
    %cond3A_84 = arith.constant 0 : i32
    %cond3A_85 = arith.cmpi ne, %convert_element_type3A_83, %cond3A_84 : i32
    scf.if %cond3A_85 {
      %mul3A_119 = arith.constant 400 : i32
      %mul3A_120 = arith.muli %add3A_80, %mul3A_119 : i32
      %dma_start3A = tpu.memref_slice %arg3[%mul3A_120] : memref<100000xi32, #tpu.memory_space<hbm>> -> memref<400xi32, #tpu.memory_space<hbm>>
      %dma_start3A_121 = tpu.memref_slice %arg3[%mul3A_120] : memref<100000xi32, #tpu.memory_space<hbm>> -> memref<400xi32, #tpu.memory_space<hbm>>
      tpu.enqueue_dma source(%dma_start3A_121 : memref<400xi32, #tpu.memory_space<hbm>>) target(%arg8 : memref<400xi32, #tpu.memory_space<vmem>>) target_semaphore(%arg11 : memref<!tpu.dma_semaphore, #tpu.memory_space<semaphore_mem>>)
      %mul3A_122 = arith.constant 400 : i32
      %mul3A_123 = arith.muli %add3A_80, %mul3A_122 : i32
      %dma_start3A_124 = arith.constant 0 : i32
      %dma_start3A_125 = tpu.memref_slice %arg2[%mul3A_123, %dma_start3A_124] : memref<100000x128xf32, #tpu.memory_space<hbm>> -> memref<400x128xf32, #tpu.memory_space<hbm>>
      %dma_start3A_126 = arith.constant 0 : i32
      %dma_start3A_127 = tpu.memref_slice %arg2[%mul3A_123, %dma_start3A_126] : memref<100000x128xf32, #tpu.memory_space<hbm>> -> memref<400x128xf32, #tpu.memory_space<hbm>>
      tpu.enqueue_dma source(%dma_start3A_127 : memref<400x128xf32, #tpu.memory_space<hbm>>) target(%arg6 : memref<400x128xf32, #tpu.memory_space<vmem>>) target_semaphore(%arg11 : memref<!tpu.dma_semaphore, #tpu.memory_space<semaphore_mem>>)
    } else {
    }
    %add3A_86 = arith.constant 160 : i32
    %add3A_87 = arith.addi %add3A, %add3A_86 : i32
    %lt3A_88 = arith.constant 250 : i32
    %lt3A_89 = arith.cmpi slt, %add3A_87, %lt3A_88 : i32
    %convert_element_type3A_90 = arith.extui %lt3A_89 : i1 to i32
    %cond3A_91 = arith.constant 0 : i32
    %cond3A_92 = arith.cmpi ne, %convert_element_type3A_90, %cond3A_91 : i32
    scf.if %cond3A_92 {
      %dma_wait3A = arith.constant 0 : i32
      %dma_wait3A_119 = tpu.memref_slice %arg3[%dma_wait3A] : memref<100000xi32, #tpu.memory_space<hbm>> -> memref<400xi32, #tpu.memory_space<hbm>>
      %dma_wait3A_120 = arith.constant 0 : i32
      %dma_wait3A_121 = tpu.memref_slice %arg3[%dma_wait3A_120] : memref<100000xi32, #tpu.memory_space<hbm>> -> memref<400xi32, #tpu.memory_space<hbm>>
      tpu.wait_dma2 semaphore(%arg12 : memref<!tpu.dma_semaphore, #tpu.memory_space<semaphore_mem>>) src(%dma_wait3A_121 : memref<400xi32, #tpu.memory_space<hbm>>) dst(%arg9 : memref<400xi32, #tpu.memory_space<vmem>>)
      %dma_wait3A_122 = arith.constant 0 : i32
      %dma_wait3A_123 = arith.constant 0 : i32
      %dma_wait3A_124 = tpu.memref_slice %arg2[%dma_wait3A_122, %dma_wait3A_123] : memref<100000x128xf32, #tpu.memory_space<hbm>> -> memref<400x128xf32, #tpu.memory_space<hbm>>
      %dma_wait3A_125 = arith.constant 0 : i32
      %dma_wait3A_126 = arith.constant 0 : i32
      %dma_wait3A_127 = tpu.memref_slice %arg2[%dma_wait3A_125, %dma_wait3A_126] : memref<100000x128xf32, #tpu.memory_space<hbm>> -> memref<400x128xf32, #tpu.memory_space<hbm>>
      tpu.wait_dma2 semaphore(%arg12 : memref<!tpu.dma_semaphore, #tpu.memory_space<semaphore_mem>>) src(%dma_wait3A_127 : memref<400x128xf32, #tpu.memory_space<hbm>>) dst(%arg7 : memref<400x128xf32, #tpu.memory_space<vmem>>)
      "tpu.region"() ({
        %run_scoped3A = tpu.sem_alloc : memref<!tpu.dma_semaphore, #tpu.memory_space<semaphore_mem>>
        %dma_start3A = arith.constant 0 : i32
        %dma_start3A_128 = arith.constant 0 : i32
        %dma_start3A_129 = tpu.memref_slice %arg10[%dma_start3A, %dma_start3A_128] : memref<1024x128xf32, #tpu.memory_space<vmem_shared>> -> memref<1024x128xf32, #tpu.memory_space<vmem_shared>>
        tpu.enqueue_indirect_dma source(%arg7 : memref<400x128xf32, #tpu.memory_space<vmem>>) target(%dma_start3A_129 : memref<1024x128xf32, #tpu.memory_space<vmem_shared>>) offsets(%arg9 : memref<400xi32, #tpu.memory_space<vmem>>) semaphore(%run_scoped3A : memref<!tpu.dma_semaphore, #tpu.memory_space<semaphore_mem>>) {add = true}
        %dma_wait3A_130 = arith.constant 0 : i32
        %dma_wait3A_131 = arith.constant 0 : i32
        %dma_wait3A_132 = tpu.memref_slice %arg10[%dma_wait3A_130, %dma_wait3A_131] : memref<1024x128xf32, #tpu.memory_space<vmem_shared>> -> memref<1024x128xf32, #tpu.memory_space<vmem_shared>>
        tpu.wait_indirect_dma semaphore(%run_scoped3A : memref<!tpu.dma_semaphore, #tpu.memory_space<semaphore_mem>>) src(%arg7 : memref<400x128xf32, #tpu.memory_space<vmem>>) dst(%dma_wait3A_132 : memref<1024x128xf32, #tpu.memory_space<vmem_shared>>)
        tpu.yield
      }) : () -> ()
    } else {
    }
    %add3A_93 = arith.constant 224 : i32
    %add3A_94 = arith.addi %add3A, %add3A_93 : i32
    %lt3A_95 = arith.constant 250 : i32
    %lt3A_96 = arith.cmpi slt, %add3A_94, %lt3A_95 : i32
    %convert_element_type3A_97 = arith.extui %lt3A_96 : i1 to i32
    %cond3A_98 = arith.constant 0 : i32
    %cond3A_99 = arith.cmpi ne, %convert_element_type3A_97, %cond3A_98 : i32
    scf.if %cond3A_99 {
      %mul3A_119 = arith.constant 400 : i32
      %mul3A_120 = arith.muli %add3A_94, %mul3A_119 : i32
      %dma_start3A = tpu.memref_slice %arg3[%mul3A_120] : memref<100000xi32, #tpu.memory_space<hbm>> -> memref<400xi32, #tpu.memory_space<hbm>>
      %dma_start3A_121 = tpu.memref_slice %arg3[%mul3A_120] : memref<100000xi32, #tpu.memory_space<hbm>> -> memref<400xi32, #tpu.memory_space<hbm>>
      tpu.enqueue_dma source(%dma_start3A_121 : memref<400xi32, #tpu.memory_space<hbm>>) target(%arg9 : memref<400xi32, #tpu.memory_space<vmem>>) target_semaphore(%arg12 : memref<!tpu.dma_semaphore, #tpu.memory_space<semaphore_mem>>)
      %mul3A_122 = arith.constant 400 : i32
      %mul3A_123 = arith.muli %add3A_94, %mul3A_122 : i32
      %dma_start3A_124 = arith.constant 0 : i32
      %dma_start3A_125 = tpu.memref_slice %arg2[%mul3A_123, %dma_start3A_124] : memref<100000x128xf32, #tpu.memory_space<hbm>> -> memref<400x128xf32, #tpu.memory_space<hbm>>
      %dma_start3A_126 = arith.constant 0 : i32
      %dma_start3A_127 = tpu.memref_slice %arg2[%mul3A_123, %dma_start3A_126] : memref<100000x128xf32, #tpu.memory_space<hbm>> -> memref<400x128xf32, #tpu.memory_space<hbm>>
      tpu.enqueue_dma source(%dma_start3A_127 : memref<400x128xf32, #tpu.memory_space<hbm>>) target(%arg7 : memref<400x128xf32, #tpu.memory_space<vmem>>) target_semaphore(%arg12 : memref<!tpu.dma_semaphore, #tpu.memory_space<semaphore_mem>>)
    } else {
    }
    %add3A_100 = arith.constant 192 : i32
    %add3A_101 = arith.addi %add3A, %add3A_100 : i32
    %lt3A_102 = arith.constant 250 : i32
    %lt3A_103 = arith.cmpi slt, %add3A_101, %lt3A_102 : i32
    %convert_element_type3A_104 = arith.extui %lt3A_103 : i1 to i32
    %cond3A_105 = arith.constant 0 : i32
    %cond3A_106 = arith.cmpi ne, %convert_element_type3A_104, %cond3A_105 : i32
    scf.if %cond3A_106 {
      %dma_wait3A = arith.constant 0 : i32
      %dma_wait3A_119 = tpu.memref_slice %arg3[%dma_wait3A] : memref<100000xi32, #tpu.memory_space<hbm>> -> memref<400xi32, #tpu.memory_space<hbm>>
      %dma_wait3A_120 = arith.constant 0 : i32
      %dma_wait3A_121 = tpu.memref_slice %arg3[%dma_wait3A_120] : memref<100000xi32, #tpu.memory_space<hbm>> -> memref<400xi32, #tpu.memory_space<hbm>>
      tpu.wait_dma2 semaphore(%arg11 : memref<!tpu.dma_semaphore, #tpu.memory_space<semaphore_mem>>) src(%dma_wait3A_121 : memref<400xi32, #tpu.memory_space<hbm>>) dst(%arg8 : memref<400xi32, #tpu.memory_space<vmem>>)
      %dma_wait3A_122 = arith.constant 0 : i32
      %dma_wait3A_123 = arith.constant 0 : i32
      %dma_wait3A_124 = tpu.memref_slice %arg2[%dma_wait3A_122, %dma_wait3A_123] : memref<100000x128xf32, #tpu.memory_space<hbm>> -> memref<400x128xf32, #tpu.memory_space<hbm>>
      %dma_wait3A_125 = arith.constant 0 : i32
      %dma_wait3A_126 = arith.constant 0 : i32
      %dma_wait3A_127 = tpu.memref_slice %arg2[%dma_wait3A_125, %dma_wait3A_126] : memref<100000x128xf32, #tpu.memory_space<hbm>> -> memref<400x128xf32, #tpu.memory_space<hbm>>
      tpu.wait_dma2 semaphore(%arg11 : memref<!tpu.dma_semaphore, #tpu.memory_space<semaphore_mem>>) src(%dma_wait3A_127 : memref<400x128xf32, #tpu.memory_space<hbm>>) dst(%arg6 : memref<400x128xf32, #tpu.memory_space<vmem>>)
      "tpu.region"() ({
        %run_scoped3A = tpu.sem_alloc : memref<!tpu.dma_semaphore, #tpu.memory_space<semaphore_mem>>
        %dma_start3A = arith.constant 0 : i32
        %dma_start3A_128 = arith.constant 0 : i32
        %dma_start3A_129 = tpu.memref_slice %arg10[%dma_start3A, %dma_start3A_128] : memref<1024x128xf32, #tpu.memory_space<vmem_shared>> -> memref<1024x128xf32, #tpu.memory_space<vmem_shared>>
        tpu.enqueue_indirect_dma source(%arg6 : memref<400x128xf32, #tpu.memory_space<vmem>>) target(%dma_start3A_129 : memref<1024x128xf32, #tpu.memory_space<vmem_shared>>) offsets(%arg8 : memref<400xi32, #tpu.memory_space<vmem>>) semaphore(%run_scoped3A : memref<!tpu.dma_semaphore, #tpu.memory_space<semaphore_mem>>) {add = true}
        %dma_wait3A_130 = arith.constant 0 : i32
        %dma_wait3A_131 = arith.constant 0 : i32
        %dma_wait3A_132 = tpu.memref_slice %arg10[%dma_wait3A_130, %dma_wait3A_131] : memref<1024x128xf32, #tpu.memory_space<vmem_shared>> -> memref<1024x128xf32, #tpu.memory_space<vmem_shared>>
        tpu.wait_indirect_dma semaphore(%run_scoped3A : memref<!tpu.dma_semaphore, #tpu.memory_space<semaphore_mem>>) src(%arg6 : memref<400x128xf32, #tpu.memory_space<vmem>>) dst(%dma_wait3A_132 : memref<1024x128xf32, #tpu.memory_space<vmem_shared>>)
        tpu.yield
      }) : () -> ()
    } else {
    }
    %add3A_107 = arith.constant 224 : i32
    %add3A_108 = arith.addi %add3A, %add3A_107 : i32
    %lt3A_109 = arith.constant 250 : i32
    %lt3A_110 = arith.cmpi slt, %add3A_108, %lt3A_109 : i32
    %convert_element_type3A_111 = arith.extui %lt3A_110 : i1 to i32
    %cond3A_112 = arith.constant 0 : i32
    %cond3A_113 = arith.cmpi ne, %convert_element_type3A_111, %cond3A_112 : i32
    scf.if %cond3A_113 {
      %dma_wait3A = arith.constant 0 : i32
      %dma_wait3A_119 = tpu.memref_slice %arg3[%dma_wait3A] : memref<100000xi32, #tpu.memory_space<hbm>> -> memref<400xi32, #tpu.memory_space<hbm>>
      %dma_wait3A_120 = arith.constant 0 : i32
      %dma_wait3A_121 = tpu.memref_slice %arg3[%dma_wait3A_120] : memref<100000xi32, #tpu.memory_space<hbm>> -> memref<400xi32, #tpu.memory_space<hbm>>
      tpu.wait_dma2 semaphore(%arg12 : memref<!tpu.dma_semaphore, #tpu.memory_space<semaphore_mem>>) src(%dma_wait3A_121 : memref<400xi32, #tpu.memory_space<hbm>>) dst(%arg9 : memref<400xi32, #tpu.memory_space<vmem>>)
      %dma_wait3A_122 = arith.constant 0 : i32
      %dma_wait3A_123 = arith.constant 0 : i32
      %dma_wait3A_124 = tpu.memref_slice %arg2[%dma_wait3A_122, %dma_wait3A_123] : memref<100000x128xf32, #tpu.memory_space<hbm>> -> memref<400x128xf32, #tpu.memory_space<hbm>>
      %dma_wait3A_125 = arith.constant 0 : i32
      %dma_wait3A_126 = arith.constant 0 : i32
      %dma_wait3A_127 = tpu.memref_slice %arg2[%dma_wait3A_125, %dma_wait3A_126] : memref<100000x128xf32, #tpu.memory_space<hbm>> -> memref<400x128xf32, #tpu.memory_space<hbm>>
      tpu.wait_dma2 semaphore(%arg12 : memref<!tpu.dma_semaphore, #tpu.memory_space<semaphore_mem>>) src(%dma_wait3A_127 : memref<400x128xf32, #tpu.memory_space<hbm>>) dst(%arg7 : memref<400x128xf32, #tpu.memory_space<vmem>>)
      "tpu.region"() ({
        %run_scoped3A = tpu.sem_alloc : memref<!tpu.dma_semaphore, #tpu.memory_space<semaphore_mem>>
        %dma_start3A = arith.constant 0 : i32
        %dma_start3A_128 = arith.constant 0 : i32
        %dma_start3A_129 = tpu.memref_slice %arg10[%dma_start3A, %dma_start3A_128] : memref<1024x128xf32, #tpu.memory_space<vmem_shared>> -> memref<1024x128xf32, #tpu.memory_space<vmem_shared>>
        tpu.enqueue_indirect_dma source(%arg7 : memref<400x128xf32, #tpu.memory_space<vmem>>) target(%dma_start3A_129 : memref<1024x128xf32, #tpu.memory_space<vmem_shared>>) offsets(%arg9 : memref<400xi32, #tpu.memory_space<vmem>>) semaphore(%run_scoped3A : memref<!tpu.dma_semaphore, #tpu.memory_space<semaphore_mem>>) {add = true}
        %dma_wait3A_130 = arith.constant 0 : i32
        %dma_wait3A_131 = arith.constant 0 : i32
        %dma_wait3A_132 = tpu.memref_slice %arg10[%dma_wait3A_130, %dma_wait3A_131] : memref<1024x128xf32, #tpu.memory_space<vmem_shared>> -> memref<1024x128xf32, #tpu.memory_space<vmem_shared>>
        tpu.wait_indirect_dma semaphore(%run_scoped3A : memref<!tpu.dma_semaphore, #tpu.memory_space<semaphore_mem>>) src(%arg7 : memref<400x128xf32, #tpu.memory_space<vmem>>) dst(%dma_wait3A_132 : memref<1024x128xf32, #tpu.memory_space<vmem_shared>>)
        tpu.yield
      }) : () -> ()
    } else {
    }
    %barrier3A_114 = arith.constant 0 : index
    tpu.barrier barrier_id(%barrier3A_114)
    %eq3A = arith.constant 0 : i32
    %eq3A_115 = arith.cmpi eq, %arg1, %eq3A : i32
    %convert_element_type3A_116 = arith.extui %eq3A_115 : i1 to i32
    %cond3A_117 = arith.constant 0 : i32
    %cond3A_118 = arith.cmpi ne, %convert_element_type3A_116, %cond3A_117 : i32
    scf.if %cond3A_118 {
      "tpu.region"() ({
        %run_scoped3A = tpu.sem_alloc : memref<!tpu.dma_semaphore, #tpu.memory_space<semaphore_mem>>
        %dma_start3A = arith.constant 0 : i32
        %dma_start3A_119 = arith.constant 0 : i32
        %dma_start3A_120 = tpu.memref_slice %arg5[%arg0, %dma_start3A, %dma_start3A_119] : memref<2x1024x128xf32, #tpu.memory_space<hbm>> -> memref<1x1024x128xf32, #tpu.memory_space<hbm>>
        %dma_start3A_121 = tpu.memref_squeeze %dma_start3A_120 : memref<1x1024x128xf32, #tpu.memory_space<hbm>> -> memref<1024x128xf32, #tpu.memory_space<hbm>>
        tpu.enqueue_dma source(%arg10 : memref<1024x128xf32, #tpu.memory_space<vmem_shared>>) target(%dma_start3A_121 : memref<1024x128xf32, #tpu.memory_space<hbm>>) target_semaphore(%run_scoped3A : memref<!tpu.dma_semaphore, #tpu.memory_space<semaphore_mem>>)
        %dma_wait3A = arith.constant 0 : i32
        %dma_wait3A_122 = arith.constant 0 : i32
        %dma_wait3A_123 = tpu.memref_slice %arg5[%arg0, %dma_wait3A, %dma_wait3A_122] : memref<2x1024x128xf32, #tpu.memory_space<hbm>> -> memref<1x1024x128xf32, #tpu.memory_space<hbm>>
        %dma_wait3A_124 = tpu.memref_squeeze %dma_wait3A_123 : memref<1x1024x128xf32, #tpu.memory_space<hbm>> -> memref<1024x128xf32, #tpu.memory_space<hbm>>
        tpu.wait_dma2 semaphore(%run_scoped3A : memref<!tpu.dma_semaphore, #tpu.memory_space<semaphore_mem>>) src(%arg10 : memref<1024x128xf32, #tpu.memory_space<vmem_shared>>) dst(%dma_wait3A_124 : memref<1024x128xf32, #tpu.memory_space<hbm>>)
        tpu.yield
      }) : () -> ()
    } else {
    }
    return
  }
}

module attributes {stable_mosaic.version = 14 : i64} {
  func.func @_fix_body(%arg0: memref<2x1024x128xf32, #tpu.memory_space<vmem>>, %arg1: memref<1024x128xf32, #tpu.memory_space<vmem>>, %arg2: memref<1x128xf32, #tpu.memory_space<vmem>>, %arg3: memref<1x128xf32, #tpu.memory_space<vmem>>, %arg4: memref<1x128xf32, #tpu.memory_space<vmem>>, %arg5: memref<1000x128xf32, #tpu.memory_space<vmem>>) attributes {dimension_semantics = [], scalar_prefetch = 0 : i64, scratch_operands = 0 : i64, tpu.core_type = #tpu.core_type<tc>} {
    %get3A = arith.constant 0 : index
    %get3A_0 = arith.constant 0 : index
    %get3A_1 = arith.constant 0 : index
    %get3A_2 = vector.load %arg0[%get3A, %get3A_0, %get3A_1] : memref<2x1024x128xf32, #tpu.memory_space<vmem>>, vector<1x1024x128xf32>
    %get3A_3 = vector.shape_cast %get3A_2 : vector<1x1024x128xf32> to vector<1024x128xf32>
    %get3A_4 = arith.constant 1 : index
    %get3A_5 = arith.constant 0 : index
    %get3A_6 = arith.constant 0 : index
    %get3A_7 = vector.load %arg0[%get3A_4, %get3A_5, %get3A_6] : memref<2x1024x128xf32, #tpu.memory_space<vmem>>, vector<1x1024x128xf32>
    %get3A_8 = vector.shape_cast %get3A_7 : vector<1x1024x128xf32> to vector<1024x128xf32>
    %add3A = arith.addf %get3A_3, %get3A_8 : vector<1024x128xf32>
    %reduce_sum3A = arith.constant dense<0.000000e+00> : vector<128xf32>
    %reduce_sum3A_9 = vector.multi_reduction <add>, %add3A, %reduce_sum3A [0] : vector<1024x128xf32> to vector<128xf32>
    %broadcast_in_dim3A = vector.shape_cast %reduce_sum3A_9 : vector<128xf32> to vector<1x128xf32>
    %mul3A = arith.constant 9.99999974E-6 : f32
    %mul3A_10 = vector.broadcast %mul3A : f32 to vector<1x128xf32>
    %mul3A_11 = arith.mulf %broadcast_in_dim3A, %mul3A_10 : vector<1x128xf32>
    %get3A_12 = arith.constant 0 : index
    %get3A_13 = arith.constant 0 : index
    %get3A_14 = vector.load %arg2[%get3A_12, %get3A_13] : memref<1x128xf32, #tpu.memory_space<vmem>>, vector<1x128xf32>
    %mul3A_15 = arith.constant 9.99999974E-6 : f32
    %mul3A_16 = vector.broadcast %mul3A_15 : f32 to vector<1x128xf32>
    %mul3A_17 = arith.mulf %get3A_14, %mul3A_16 : vector<1x128xf32>
    %mul3A_18 = arith.mulf %mul3A_11, %mul3A_11 : vector<1x128xf32>
    %sub3A = arith.subf %mul3A_17, %mul3A_18 : vector<1x128xf32>
    %max3A = arith.constant 0.000000e+00 : f32
    %max3A_19 = vector.broadcast %max3A : f32 to vector<1x128xf32>
    %max3A_20 = arith.maximumf %sub3A, %max3A_19 : vector<1x128xf32>
    %get3A_21 = arith.constant 0 : index
    %get3A_22 = arith.constant 0 : index
    %get3A_23 = vector.load %arg3[%get3A_21, %get3A_22] : memref<1x128xf32, #tpu.memory_space<vmem>>, vector<1x128xf32>
    %add3A_24 = arith.constant 9.99999974E-6 : f32
    %add3A_25 = vector.broadcast %add3A_24 : f32 to vector<1x128xf32>
    %add3A_26 = arith.addf %max3A_20, %add3A_25 : vector<1x128xf32>
    %rsqrt3A = math.rsqrt %add3A_26 : vector<1x128xf32>
    %mul3A_27 = arith.mulf %get3A_23, %rsqrt3A : vector<1x128xf32>
    %get3A_28 = arith.constant 0 : index
    %get3A_29 = arith.constant 0 : index
    %get3A_30 = vector.load %arg4[%get3A_28, %get3A_29] : memref<1x128xf32, #tpu.memory_space<vmem>>, vector<1x128xf32>
    %mul3A_31 = arith.mulf %mul3A_11, %mul3A_27 : vector<1x128xf32>
    %sub3A_32 = arith.subf %get3A_30, %mul3A_31 : vector<1x128xf32>
    %slice3A = vector.extract_strided_slice %add3A {offsets = [0, 0], sizes = [1000, 128], strides = [1, 1]} : vector<1024x128xf32> to vector<1000x128xf32>
    %mul3A_33 = vector.broadcast %mul3A_27 : vector<1x128xf32> to vector<1000x128xf32>
    %mul3A_34 = arith.mulf %slice3A, %mul3A_33 : vector<1000x128xf32>
    %get3A_35 = arith.constant 0 : index
    %get3A_36 = arith.constant 0 : index
    %get3A_37 = vector.load %arg1[%get3A_35, %get3A_36] : memref<1024x128xf32, #tpu.memory_space<vmem>>, vector<1000x128xf32>
    %mul3A_38 = vector.broadcast %sub3A_32 : vector<1x128xf32> to vector<1000x128xf32>
    %mul3A_39 = arith.mulf %get3A_37, %mul3A_38 : vector<1000x128xf32>
    %add3A_40 = arith.addf %mul3A_34, %mul3A_39 : vector<1000x128xf32>
    %swap3A = arith.constant 0 : index
    %swap3A_41 = arith.constant 0 : index
    %swap3A_42 = vector.load %arg5[%swap3A, %swap3A_41] : memref<1000x128xf32, #tpu.memory_space<vmem>>, vector<1000x128xf32>
    tpu.vector_store %arg5[%swap3A, %swap3A_41], %add3A_40 {strides = array<i32>} : memref<1000x128xf32, #tpu.memory_space<vmem>>, vector<1000x128xf32>,
    return
  }
}

module attributes {stable_mosaic.version = 14 : i64} {
  func.func @_h_body(%arg0: i32, %arg1: memref<4000x128xf32, #tpu.memory_space<vmem>>, %arg2: memref<1x1x4000xi32, #tpu.memory_space<vmem>>, %arg3: memref<128x128xf32, #tpu.memory_space<vmem>>, %arg4: memref<1x128xf32, #tpu.memory_space<vmem>>, %arg5: memref<128x128xf32, #tpu.memory_space<vmem>>, %arg6: memref<1x128xf32, #tpu.memory_space<vmem>>, %arg7: memref<4000x128xf32, #tpu.memory_space<vmem>>, %arg8: memref<1x128xf32, #tpu.memory_space<vmem>>, %arg9: memref<1024x128xf32, #tpu.memory_space<vmem>>, %arg10: memref<1x128xf32, #tpu.memory_space<vmem>>, %arg11: memref<1024x128xf32, #tpu.memory_space<vmem>>) attributes {dimension_semantics = [#tpu.dimension_semantics<arbitrary>], iteration_bounds = array<i64: 25>, scalar_prefetch = 0 : i64, scratch_operands = 2 : i64, tpu.core_type = #tpu.core_type<tc>, window_params = [{transform_indices = @transform_0, window_bounds = array<i64: 4000, 128>}, {transform_indices = @transform_1, window_bounds = array<i64: 1, 1, 4000>}, {pipeline_mode = #tpu.pipeline_mode<synchronous>, transform_indices = @transform_2, window_bounds = array<i64: 128, 128>}, {pipeline_mode = #tpu.pipeline_mode<synchronous>, transform_indices = @transform_3, window_bounds = array<i64: 1, 128>}, {pipeline_mode = #tpu.pipeline_mode<synchronous>, transform_indices = @transform_4, window_bounds = array<i64: 128, 128>}, {pipeline_mode = #tpu.pipeline_mode<synchronous>, transform_indices = @transform_5, window_bounds = array<i64: 1, 128>}, {transform_indices = @transform_6, window_bounds = array<i64: 4000, 128>}, {pipeline_mode = #tpu.pipeline_mode<synchronous>, transform_indices = @transform_7, window_bounds = array<i64: 1, 128>}, {pipeline_mode = #tpu.pipeline_mode<synchronous>, transform_indices = @transform_8, window_bounds = array<i64: 1024, 128>}]} {
    %eq3A = arith.constant 0 : i32
    %eq3A_0 = arith.cmpi eq, %arg0, %eq3A : i32
    %convert_element_type3A = arith.extui %eq3A_0 : i1 to i32
    %cond3A = arith.constant 0 : i32
    %cond3A_1 = arith.cmpi ne, %convert_element_type3A, %cond3A : i32
    scf.if %cond3A_1 {
      %broadcast_in_dim3A_176 = arith.constant 0.000000e+00 : f32
      %broadcast_in_dim3A_177 = vector.broadcast %broadcast_in_dim3A_176 : f32 to vector<1x128xf32>
      %swap3A_178 = arith.constant 0 : index
      %swap3A_179 = arith.constant 0 : index
      %swap3A_180 = vector.load %arg10[%swap3A_178, %swap3A_179] : memref<1x128xf32, #tpu.memory_space<vmem>>, vector<1x128xf32>
      tpu.vector_store %arg10[%swap3A_178, %swap3A_179], %broadcast_in_dim3A_177 {strides = array<i32>} : memref<1x128xf32, #tpu.memory_space<vmem>>, vector<1x128xf32>,
      %broadcast_in_dim3A_181 = arith.constant 0.000000e+00 : f32
      %broadcast_in_dim3A_182 = vector.broadcast %broadcast_in_dim3A_181 : f32 to vector<1024x128xf32>
      %swap3A_183 = arith.constant 0 : index
      %swap3A_184 = arith.constant 0 : index
      %swap3A_185 = vector.load %arg11[%swap3A_183, %swap3A_184] : memref<1024x128xf32, #tpu.memory_space<vmem>>, vector<1024x128xf32>
      tpu.vector_store %arg11[%swap3A_183, %swap3A_184], %broadcast_in_dim3A_182 {strides = array<i32>} : memref<1024x128xf32, #tpu.memory_space<vmem>>, vector<1024x128xf32>,
    } else {
    }
    %get3A = arith.constant 0 : index
    %get3A_2 = arith.constant 0 : index
    %get3A_3 = vector.load %arg1[%get3A, %get3A_2] : memref<4000x128xf32, #tpu.memory_space<vmem>>, vector<4000x128xf32>
    %get3A_4 = arith.constant 0 : index
    %get3A_5 = arith.constant 0 : index
    %get3A_6 = vector.load %arg3[%get3A_4, %get3A_5] : memref<128x128xf32, #tpu.memory_space<vmem>>, vector<128x128xf32>
    %dot_general3A = arith.constant dense<0.000000e+00> : vector<4000x128xf32>
    %dot_general3A_7 = tpu.matmul %get3A_3, %get3A_6, %dot_general3A {dimension_numbers = #tpu.dot_dimension_numbers<[1], [1], [0], [0], [0, 0, 1, 0], [], []>, transpose_lhs_hint = false} : vector<4000x128xf32>, vector<128x128xf32>, vector<4000x128xf32> -> vector<4000x128xf32>
    %get3A_8 = arith.constant 0 : index
    %get3A_9 = arith.constant 0 : index
    %get3A_10 = vector.load %arg4[%get3A_8, %get3A_9] : memref<1x128xf32, #tpu.memory_space<vmem>>, vector<1x128xf32>
    %add3A = vector.broadcast %get3A_10 : vector<1x128xf32> to vector<4000x128xf32>
    %add3A_11 = arith.addf %dot_general3A_7, %add3A : vector<4000x128xf32>
    %get3A_12 = arith.constant 0 : index
    %get3A_13 = arith.constant 0 : index
    %get3A_14 = vector.load %arg5[%get3A_12, %get3A_13] : memref<128x128xf32, #tpu.memory_space<vmem>>, vector<128x128xf32>
    %dot_general3A_15 = arith.constant dense<0.000000e+00> : vector<4000x128xf32>
    %dot_general3A_16 = tpu.matmul %get3A_3, %get3A_14, %dot_general3A_15 {dimension_numbers = #tpu.dot_dimension_numbers<[1], [1], [0], [0], [0, 0, 1, 0], [], []>, transpose_lhs_hint = false} : vector<4000x128xf32>, vector<128x128xf32>, vector<4000x128xf32> -> vector<4000x128xf32>
    %get3A_17 = arith.constant 0 : index
    %get3A_18 = arith.constant 0 : index
    %get3A_19 = vector.load %arg6[%get3A_17, %get3A_18] : memref<1x128xf32, #tpu.memory_space<vmem>>, vector<1x128xf32>
    %add3A_20 = vector.broadcast %get3A_19 : vector<1x128xf32> to vector<4000x128xf32>
    %add3A_21 = arith.addf %dot_general3A_16, %add3A_20 : vector<4000x128xf32>
    %mul3A = arith.mulf %add3A_11, %add3A_21 : vector<4000x128xf32>
    %swap3A = arith.constant 0 : index
    %swap3A_22 = arith.constant 0 : index
    %swap3A_23 = vector.load %arg7[%swap3A, %swap3A_22] : memref<4000x128xf32, #tpu.memory_space<vmem>>, vector<4000x128xf32>
    tpu.vector_store %arg7[%swap3A, %swap3A_22], %mul3A {strides = array<i32>} : memref<4000x128xf32, #tpu.memory_space<vmem>>, vector<4000x128xf32>,
    %get3A_24 = arith.constant 0 : index
    %get3A_25 = arith.constant 0 : index
    %get3A_26 = vector.load %arg10[%get3A_24, %get3A_25] : memref<1x128xf32, #tpu.memory_space<vmem>>, vector<1x128xf32>
    %mul3A_27 = arith.mulf %mul3A, %mul3A : vector<4000x128xf32>
    %reduce_sum3A = arith.constant dense<0.000000e+00> : vector<128xf32>
    %reduce_sum3A_28 = vector.multi_reduction <add>, %mul3A_27, %reduce_sum3A [0] : vector<4000x128xf32> to vector<128xf32>
    %broadcast_in_dim3A = vector.shape_cast %reduce_sum3A_28 : vector<128xf32> to vector<1x128xf32>
    %add3A_29 = arith.addf %get3A_26, %broadcast_in_dim3A : vector<1x128xf32>
    %swap3A_30 = arith.constant 0 : index
    %swap3A_31 = arith.constant 0 : index
    %swap3A_32 = vector.load %arg10[%swap3A_30, %swap3A_31] : memref<1x128xf32, #tpu.memory_space<vmem>>, vector<1x128xf32>
    tpu.vector_store %arg10[%swap3A_30, %swap3A_31], %add3A_29 {strides = array<i32>} : memref<1x128xf32, #tpu.memory_space<vmem>>, vector<1x128xf32>,
    %get3A_33 = arith.constant 0 : index
    %get3A_34 = arith.constant 0 : index
    %get3A_35 = arith.constant 0 : index
    %get3A_36 = vector.load %arg2[%get3A_33, %get3A_34, %get3A_35] : memref<1x1x4000xi32, #tpu.memory_space<vmem>>, vector<1x1x4000xi32>
    %get3A_37 = vector.shape_cast %get3A_36 : vector<1x1x4000xi32> to vector<1x4000xi32>
    %reduce_min3A = vector.shape_cast %get3A_37 : vector<1x4000xi32> to vector<1x1x4000xi32>
    %reduce_min3A_38 = arith.constant dense<2147483647> : vector<1xi32>
    %reduce_min3A_39 = vector.multi_reduction <minsi>, %reduce_min3A, %reduce_min3A_38 [1, 2] : vector<1x1x4000xi32> to vector<1xi32>
    %reduce_min3A_40 = vector.shape_cast %reduce_min3A_39 : vector<1xi32> to vector<1x1x1xi32>
    %reduce_min3A_41 = vector.extract %reduce_min3A_40[0, 0, 0] : i32 from vector<1x1x1xi32>
    %reduce_max3A = vector.shape_cast %get3A_37 : vector<1x4000xi32> to vector<1x1x4000xi32>
    %reduce_max3A_42 = arith.constant dense<-2147483648> : vector<1xi32>
    %reduce_max3A_43 = vector.multi_reduction <maxsi>, %reduce_max3A, %reduce_max3A_42 [1, 2] : vector<1x1x4000xi32> to vector<1xi32>
    %reduce_max3A_44 = vector.shape_cast %reduce_max3A_43 : vector<1xi32> to vector<1x1x1xi32>
    %reduce_max3A_45 = vector.extract %reduce_max3A_44[0, 0, 0] : i32 from vector<1x1x1xi32>
    %iota3A = tpu.iota {dimensions = array<i32: 0>} : vector<64x4000xi32>
    %ge3A = arith.constant 0 : i32
    %ge3A_46 = arith.cmpi sge, %reduce_max3A_45, %ge3A : i32
    %lt3A = arith.constant 64 : i32
    %lt3A_47 = arith.cmpi slt, %reduce_min3A_41, %lt3A : i32
    %and3A = arith.andi %ge3A_46, %lt3A_47 : i1
    %convert_element_type3A_48 = arith.extui %and3A : i1 to i32
    %cond3A_49 = arith.constant 0 : i32
    %cond3A_50 = arith.cmpi ne, %convert_element_type3A_48, %cond3A_49 : i32
    scf.if %cond3A_50 {
      %sub3A = arith.constant 0 : i32
      %sub3A_176 = vector.broadcast %sub3A : i32 to vector<1x4000xi32>
      %sub3A_177 = arith.subi %get3A_37, %sub3A_176 : vector<1x4000xi32>
      %eq3A_178 = vector.broadcast %sub3A_177 : vector<1x4000xi32> to vector<64x4000xi32>
      %eq3A_179 = arith.cmpi eq, %iota3A, %eq3A_178 : vector<64x4000xi32>
      %convert_element_type3A_180 = arith.extui %eq3A_179 : vector<64x4000xi1> to vector<64x4000xi32>
      %convert_element_type3A_181 = arith.sitofp %convert_element_type3A_180 : vector<64x4000xi32> to vector<64x4000xf32>
      %reduce_sum3A_182 = arith.constant dense<0.000000e+00> : vector<64xf32>
      %reduce_sum3A_183 = vector.multi_reduction <add>, %convert_element_type3A_181, %reduce_sum3A_182 [1] : vector<64x4000xf32> to vector<64xf32>
      %broadcast_in_dim3A_184 = vector.shape_cast %reduce_sum3A_183 : vector<64xf32> to vector<64x1xf32>
      %get3A_185 = arith.constant 0 : index
      %get3A_186 = arith.constant 0 : index
      %get3A_187 = vector.load %arg11[%get3A_185, %get3A_186] : memref<1024x128xf32, #tpu.memory_space<vmem>>, vector<64x128xf32>
      %broadcast_in_dim3A_188 = vector.shape_cast %broadcast_in_dim3A_184 : vector<64x1xf32> to vector<64x1xf32>
      %broadcast_in_dim3A_189 = vector.broadcast %broadcast_in_dim3A_188 : vector<64x1xf32> to vector<64x128xf32>
      %add3A_190 = arith.addf %get3A_187, %broadcast_in_dim3A_189 : vector<64x128xf32>
      %swap3A_191 = arith.constant 0 : index
      %swap3A_192 = arith.constant 0 : index
      %swap3A_193 = vector.load %arg11[%swap3A_191, %swap3A_192] : memref<1024x128xf32, #tpu.memory_space<vmem>>, vector<64x128xf32>
      tpu.vector_store %arg11[%swap3A_191, %swap3A_192], %add3A_190 {strides = array<i32>} : memref<1024x128xf32, #tpu.memory_space<vmem>>, vector<64x128xf32>,
    } else {
    }
    %ge3A_51 = arith.constant 64 : i32
    %ge3A_52 = arith.cmpi sge, %reduce_max3A_45, %ge3A_51 : i32
    %lt3A_53 = arith.constant 128 : i32
    %lt3A_54 = arith.cmpi slt, %reduce_min3A_41, %lt3A_53 : i32
    %and3A_55 = arith.andi %ge3A_52, %lt3A_54 : i1
    %convert_element_type3A_56 = arith.extui %and3A_55 : i1 to i32
    %cond3A_57 = arith.constant 0 : i32
    %cond3A_58 = arith.cmpi ne, %convert_element_type3A_56, %cond3A_57 : i32
    scf.if %cond3A_58 {
      %sub3A = arith.constant 64 : i32
      %sub3A_176 = vector.broadcast %sub3A : i32 to vector<1x4000xi32>
      %sub3A_177 = arith.subi %get3A_37, %sub3A_176 : vector<1x4000xi32>
      %eq3A_178 = vector.broadcast %sub3A_177 : vector<1x4000xi32> to vector<64x4000xi32>
      %eq3A_179 = arith.cmpi eq, %iota3A, %eq3A_178 : vector<64x4000xi32>
      %convert_element_type3A_180 = arith.extui %eq3A_179 : vector<64x4000xi1> to vector<64x4000xi32>
      %convert_element_type3A_181 = arith.sitofp %convert_element_type3A_180 : vector<64x4000xi32> to vector<64x4000xf32>
      %reduce_sum3A_182 = arith.constant dense<0.000000e+00> : vector<64xf32>
      %reduce_sum3A_183 = vector.multi_reduction <add>, %convert_element_type3A_181, %reduce_sum3A_182 [1] : vector<64x4000xf32> to vector<64xf32>
      %broadcast_in_dim3A_184 = vector.shape_cast %reduce_sum3A_183 : vector<64xf32> to vector<64x1xf32>
      %get3A_185 = arith.constant 64 : index
      %get3A_186 = arith.constant 0 : index
      %get3A_187 = vector.load %arg11[%get3A_185, %get3A_186] : memref<1024x128xf32, #tpu.memory_space<vmem>>, vector<64x128xf32>
      %broadcast_in_dim3A_188 = vector.shape_cast %broadcast_in_dim3A_184 : vector<64x1xf32> to vector<64x1xf32>
      %broadcast_in_dim3A_189 = vector.broadcast %broadcast_in_dim3A_188 : vector<64x1xf32> to vector<64x128xf32>
      %add3A_190 = arith.addf %get3A_187, %broadcast_in_dim3A_189 : vector<64x128xf32>
      %swap3A_191 = arith.constant 64 : index
      %swap3A_192 = arith.constant 0 : index
      %swap3A_193 = vector.load %arg11[%swap3A_191, %swap3A_192] : memref<1024x128xf32, #tpu.memory_space<vmem>>, vector<64x128xf32>
      tpu.vector_store %arg11[%swap3A_191, %swap3A_192], %add3A_190 {strides = array<i32>} : memref<1024x128xf32, #tpu.memory_space<vmem>>, vector<64x128xf32>,
    } else {
    }
    %ge3A_59 = arith.constant 128 : i32
    %ge3A_60 = arith.cmpi sge, %reduce_max3A_45, %ge3A_59 : i32
    %lt3A_61 = arith.constant 192 : i32
    %lt3A_62 = arith.cmpi slt, %reduce_min3A_41, %lt3A_61 : i32
    %and3A_63 = arith.andi %ge3A_60, %lt3A_62 : i1
    %convert_element_type3A_64 = arith.extui %and3A_63 : i1 to i32
    %cond3A_65 = arith.constant 0 : i32
    %cond3A_66 = arith.cmpi ne, %convert_element_type3A_64, %cond3A_65 : i32
    scf.if %cond3A_66 {
      %sub3A = arith.constant 128 : i32
      %sub3A_176 = vector.broadcast %sub3A : i32 to vector<1x4000xi32>
      %sub3A_177 = arith.subi %get3A_37, %sub3A_176 : vector<1x4000xi32>
      %eq3A_178 = vector.broadcast %sub3A_177 : vector<1x4000xi32> to vector<64x4000xi32>
      %eq3A_179 = arith.cmpi eq, %iota3A, %eq3A_178 : vector<64x4000xi32>
      %convert_element_type3A_180 = arith.extui %eq3A_179 : vector<64x4000xi1> to vector<64x4000xi32>
      %convert_element_type3A_181 = arith.sitofp %convert_element_type3A_180 : vector<64x4000xi32> to vector<64x4000xf32>
      %reduce_sum3A_182 = arith.constant dense<0.000000e+00> : vector<64xf32>
      %reduce_sum3A_183 = vector.multi_reduction <add>, %convert_element_type3A_181, %reduce_sum3A_182 [1] : vector<64x4000xf32> to vector<64xf32>
      %broadcast_in_dim3A_184 = vector.shape_cast %reduce_sum3A_183 : vector<64xf32> to vector<64x1xf32>
      %get3A_185 = arith.constant 128 : index
      %get3A_186 = arith.constant 0 : index
      %get3A_187 = vector.load %arg11[%get3A_185, %get3A_186] : memref<1024x128xf32, #tpu.memory_space<vmem>>, vector<64x128xf32>
      %broadcast_in_dim3A_188 = vector.shape_cast %broadcast_in_dim3A_184 : vector<64x1xf32> to vector<64x1xf32>
      %broadcast_in_dim3A_189 = vector.broadcast %broadcast_in_dim3A_188 : vector<64x1xf32> to vector<64x128xf32>
      %add3A_190 = arith.addf %get3A_187, %broadcast_in_dim3A_189 : vector<64x128xf32>
      %swap3A_191 = arith.constant 128 : index
      %swap3A_192 = arith.constant 0 : index
      %swap3A_193 = vector.load %arg11[%swap3A_191, %swap3A_192] : memref<1024x128xf32, #tpu.memory_space<vmem>>, vector<64x128xf32>
      tpu.vector_store %arg11[%swap3A_191, %swap3A_192], %add3A_190 {strides = array<i32>} : memref<1024x128xf32, #tpu.memory_space<vmem>>, vector<64x128xf32>,
    } else {
    }
    %ge3A_67 = arith.constant 192 : i32
    %ge3A_68 = arith.cmpi sge, %reduce_max3A_45, %ge3A_67 : i32
    %lt3A_69 = arith.constant 256 : i32
    %lt3A_70 = arith.cmpi slt, %reduce_min3A_41, %lt3A_69 : i32
    %and3A_71 = arith.andi %ge3A_68, %lt3A_70 : i1
    %convert_element_type3A_72 = arith.extui %and3A_71 : i1 to i32
    %cond3A_73 = arith.constant 0 : i32
    %cond3A_74 = arith.cmpi ne, %convert_element_type3A_72, %cond3A_73 : i32
    scf.if %cond3A_74 {
      %sub3A = arith.constant 192 : i32
      %sub3A_176 = vector.broadcast %sub3A : i32 to vector<1x4000xi32>
      %sub3A_177 = arith.subi %get3A_37, %sub3A_176 : vector<1x4000xi32>
      %eq3A_178 = vector.broadcast %sub3A_177 : vector<1x4000xi32> to vector<64x4000xi32>
      %eq3A_179 = arith.cmpi eq, %iota3A, %eq3A_178 : vector<64x4000xi32>
      %convert_element_type3A_180 = arith.extui %eq3A_179 : vector<64x4000xi1> to vector<64x4000xi32>
      %convert_element_type3A_181 = arith.sitofp %convert_element_type3A_180 : vector<64x4000xi32> to vector<64x4000xf32>
      %reduce_sum3A_182 = arith.constant dense<0.000000e+00> : vector<64xf32>
      %reduce_sum3A_183 = vector.multi_reduction <add>, %convert_element_type3A_181, %reduce_sum3A_182 [1] : vector<64x4000xf32> to vector<64xf32>
      %broadcast_in_dim3A_184 = vector.shape_cast %reduce_sum3A_183 : vector<64xf32> to vector<64x1xf32>
      %get3A_185 = arith.constant 192 : index
      %get3A_186 = arith.constant 0 : index
      %get3A_187 = vector.load %arg11[%get3A_185, %get3A_186] : memref<1024x128xf32, #tpu.memory_space<vmem>>, vector<64x128xf32>
      %broadcast_in_dim3A_188 = vector.shape_cast %broadcast_in_dim3A_184 : vector<64x1xf32> to vector<64x1xf32>
      %broadcast_in_dim3A_189 = vector.broadcast %broadcast_in_dim3A_188 : vector<64x1xf32> to vector<64x128xf32>
      %add3A_190 = arith.addf %get3A_187, %broadcast_in_dim3A_189 : vector<64x128xf32>
      %swap3A_191 = arith.constant 192 : index
      %swap3A_192 = arith.constant 0 : index
      %swap3A_193 = vector.load %arg11[%swap3A_191, %swap3A_192] : memref<1024x128xf32, #tpu.memory_space<vmem>>, vector<64x128xf32>
      tpu.vector_store %arg11[%swap3A_191, %swap3A_192], %add3A_190 {strides = array<i32>} : memref<1024x128xf32, #tpu.memory_space<vmem>>, vector<64x128xf32>,
    } else {
    }
    %ge3A_75 = arith.constant 256 : i32
    %ge3A_76 = arith.cmpi sge, %reduce_max3A_45, %ge3A_75 : i32
    %lt3A_77 = arith.constant 320 : i32
    %lt3A_78 = arith.cmpi slt, %reduce_min3A_41, %lt3A_77 : i32
    %and3A_79 = arith.andi %ge3A_76, %lt3A_78 : i1
    %convert_element_type3A_80 = arith.extui %and3A_79 : i1 to i32
    %cond3A_81 = arith.constant 0 : i32
    %cond3A_82 = arith.cmpi ne, %convert_element_type3A_80, %cond3A_81 : i32
    scf.if %cond3A_82 {
      %sub3A = arith.constant 256 : i32
      %sub3A_176 = vector.broadcast %sub3A : i32 to vector<1x4000xi32>
      %sub3A_177 = arith.subi %get3A_37, %sub3A_176 : vector<1x4000xi32>
      %eq3A_178 = vector.broadcast %sub3A_177 : vector<1x4000xi32> to vector<64x4000xi32>
      %eq3A_179 = arith.cmpi eq, %iota3A, %eq3A_178 : vector<64x4000xi32>
      %convert_element_type3A_180 = arith.extui %eq3A_179 : vector<64x4000xi1> to vector<64x4000xi32>
      %convert_element_type3A_181 = arith.sitofp %convert_element_type3A_180 : vector<64x4000xi32> to vector<64x4000xf32>
      %reduce_sum3A_182 = arith.constant dense<0.000000e+00> : vector<64xf32>
      %reduce_sum3A_183 = vector.multi_reduction <add>, %convert_element_type3A_181, %reduce_sum3A_182 [1] : vector<64x4000xf32> to vector<64xf32>
      %broadcast_in_dim3A_184 = vector.shape_cast %reduce_sum3A_183 : vector<64xf32> to vector<64x1xf32>
      %get3A_185 = arith.constant 256 : index
      %get3A_186 = arith.constant 0 : index
      %get3A_187 = vector.load %arg11[%get3A_185, %get3A_186] : memref<1024x128xf32, #tpu.memory_space<vmem>>, vector<64x128xf32>
      %broadcast_in_dim3A_188 = vector.shape_cast %broadcast_in_dim3A_184 : vector<64x1xf32> to vector<64x1xf32>
      %broadcast_in_dim3A_189 = vector.broadcast %broadcast_in_dim3A_188 : vector<64x1xf32> to vector<64x128xf32>
      %add3A_190 = arith.addf %get3A_187, %broadcast_in_dim3A_189 : vector<64x128xf32>
      %swap3A_191 = arith.constant 256 : index
      %swap3A_192 = arith.constant 0 : index
      %swap3A_193 = vector.load %arg11[%swap3A_191, %swap3A_192] : memref<1024x128xf32, #tpu.memory_space<vmem>>, vector<64x128xf32>
      tpu.vector_store %arg11[%swap3A_191, %swap3A_192], %add3A_190 {strides = array<i32>} : memref<1024x128xf32, #tpu.memory_space<vmem>>, vector<64x128xf32>,
    } else {
    }
    %ge3A_83 = arith.constant 320 : i32
    %ge3A_84 = arith.cmpi sge, %reduce_max3A_45, %ge3A_83 : i32
    %lt3A_85 = arith.constant 384 : i32
    %lt3A_86 = arith.cmpi slt, %reduce_min3A_41, %lt3A_85 : i32
    %and3A_87 = arith.andi %ge3A_84, %lt3A_86 : i1
    %convert_element_type3A_88 = arith.extui %and3A_87 : i1 to i32
    %cond3A_89 = arith.constant 0 : i32
    %cond3A_90 = arith.cmpi ne, %convert_element_type3A_88, %cond3A_89 : i32
    scf.if %cond3A_90 {
      %sub3A = arith.constant 320 : i32
      %sub3A_176 = vector.broadcast %sub3A : i32 to vector<1x4000xi32>
      %sub3A_177 = arith.subi %get3A_37, %sub3A_176 : vector<1x4000xi32>
      %eq3A_178 = vector.broadcast %sub3A_177 : vector<1x4000xi32> to vector<64x4000xi32>
      %eq3A_179 = arith.cmpi eq, %iota3A, %eq3A_178 : vector<64x4000xi32>
      %convert_element_type3A_180 = arith.extui %eq3A_179 : vector<64x4000xi1> to vector<64x4000xi32>
      %convert_element_type3A_181 = arith.sitofp %convert_element_type3A_180 : vector<64x4000xi32> to vector<64x4000xf32>
      %reduce_sum3A_182 = arith.constant dense<0.000000e+00> : vector<64xf32>
      %reduce_sum3A_183 = vector.multi_reduction <add>, %convert_element_type3A_181, %reduce_sum3A_182 [1] : vector<64x4000xf32> to vector<64xf32>
      %broadcast_in_dim3A_184 = vector.shape_cast %reduce_sum3A_183 : vector<64xf32> to vector<64x1xf32>
      %get3A_185 = arith.constant 320 : index
      %get3A_186 = arith.constant 0 : index
      %get3A_187 = vector.load %arg11[%get3A_185, %get3A_186] : memref<1024x128xf32, #tpu.memory_space<vmem>>, vector<64x128xf32>
      %broadcast_in_dim3A_188 = vector.shape_cast %broadcast_in_dim3A_184 : vector<64x1xf32> to vector<64x1xf32>
      %broadcast_in_dim3A_189 = vector.broadcast %broadcast_in_dim3A_188 : vector<64x1xf32> to vector<64x128xf32>
      %add3A_190 = arith.addf %get3A_187, %broadcast_in_dim3A_189 : vector<64x128xf32>
      %swap3A_191 = arith.constant 320 : index
      %swap3A_192 = arith.constant 0 : index
      %swap3A_193 = vector.load %arg11[%swap3A_191, %swap3A_192] : memref<1024x128xf32, #tpu.memory_space<vmem>>, vector<64x128xf32>
      tpu.vector_store %arg11[%swap3A_191, %swap3A_192], %add3A_190 {strides = array<i32>} : memref<1024x128xf32, #tpu.memory_space<vmem>>, vector<64x128xf32>,
    } else {
    }
    %ge3A_91 = arith.constant 384 : i32
    %ge3A_92 = arith.cmpi sge, %reduce_max3A_45, %ge3A_91 : i32
    %lt3A_93 = arith.constant 448 : i32
    %lt3A_94 = arith.cmpi slt, %reduce_min3A_41, %lt3A_93 : i32
    %and3A_95 = arith.andi %ge3A_92, %lt3A_94 : i1
    %convert_element_type3A_96 = arith.extui %and3A_95 : i1 to i32
    %cond3A_97 = arith.constant 0 : i32
    %cond3A_98 = arith.cmpi ne, %convert_element_type3A_96, %cond3A_97 : i32
    scf.if %cond3A_98 {
      %sub3A = arith.constant 384 : i32
      %sub3A_176 = vector.broadcast %sub3A : i32 to vector<1x4000xi32>
      %sub3A_177 = arith.subi %get3A_37, %sub3A_176 : vector<1x4000xi32>
      %eq3A_178 = vector.broadcast %sub3A_177 : vector<1x4000xi32> to vector<64x4000xi32>
      %eq3A_179 = arith.cmpi eq, %iota3A, %eq3A_178 : vector<64x4000xi32>
      %convert_element_type3A_180 = arith.extui %eq3A_179 : vector<64x4000xi1> to vector<64x4000xi32>
      %convert_element_type3A_181 = arith.sitofp %convert_element_type3A_180 : vector<64x4000xi32> to vector<64x4000xf32>
      %reduce_sum3A_182 = arith.constant dense<0.000000e+00> : vector<64xf32>
      %reduce_sum3A_183 = vector.multi_reduction <add>, %convert_element_type3A_181, %reduce_sum3A_182 [1] : vector<64x4000xf32> to vector<64xf32>
      %broadcast_in_dim3A_184 = vector.shape_cast %reduce_sum3A_183 : vector<64xf32> to vector<64x1xf32>
      %get3A_185 = arith.constant 384 : index
      %get3A_186 = arith.constant 0 : index
      %get3A_187 = vector.load %arg11[%get3A_185, %get3A_186] : memref<1024x128xf32, #tpu.memory_space<vmem>>, vector<64x128xf32>
      %broadcast_in_dim3A_188 = vector.shape_cast %broadcast_in_dim3A_184 : vector<64x1xf32> to vector<64x1xf32>
      %broadcast_in_dim3A_189 = vector.broadcast %broadcast_in_dim3A_188 : vector<64x1xf32> to vector<64x128xf32>
      %add3A_190 = arith.addf %get3A_187, %broadcast_in_dim3A_189 : vector<64x128xf32>
      %swap3A_191 = arith.constant 384 : index
      %swap3A_192 = arith.constant 0 : index
      %swap3A_193 = vector.load %arg11[%swap3A_191, %swap3A_192] : memref<1024x128xf32, #tpu.memory_space<vmem>>, vector<64x128xf32>
      tpu.vector_store %arg11[%swap3A_191, %swap3A_192], %add3A_190 {strides = array<i32>} : memref<1024x128xf32, #tpu.memory_space<vmem>>, vector<64x128xf32>,
    } else {
    }
    %ge3A_99 = arith.constant 448 : i32
    %ge3A_100 = arith.cmpi sge, %reduce_max3A_45, %ge3A_99 : i32
    %lt3A_101 = arith.constant 512 : i32
    %lt3A_102 = arith.cmpi slt, %reduce_min3A_41, %lt3A_101 : i32
    %and3A_103 = arith.andi %ge3A_100, %lt3A_102 : i1
    %convert_element_type3A_104 = arith.extui %and3A_103 : i1 to i32
    %cond3A_105 = arith.constant 0 : i32
    %cond3A_106 = arith.cmpi ne, %convert_element_type3A_104, %cond3A_105 : i32
    scf.if %cond3A_106 {
      %sub3A = arith.constant 448 : i32
      %sub3A_176 = vector.broadcast %sub3A : i32 to vector<1x4000xi32>
      %sub3A_177 = arith.subi %get3A_37, %sub3A_176 : vector<1x4000xi32>
      %eq3A_178 = vector.broadcast %sub3A_177 : vector<1x4000xi32> to vector<64x4000xi32>
      %eq3A_179 = arith.cmpi eq, %iota3A, %eq3A_178 : vector<64x4000xi32>
      %convert_element_type3A_180 = arith.extui %eq3A_179 : vector<64x4000xi1> to vector<64x4000xi32>
      %convert_element_type3A_181 = arith.sitofp %convert_element_type3A_180 : vector<64x4000xi32> to vector<64x4000xf32>
      %reduce_sum3A_182 = arith.constant dense<0.000000e+00> : vector<64xf32>
      %reduce_sum3A_183 = vector.multi_reduction <add>, %convert_element_type3A_181, %reduce_sum3A_182 [1] : vector<64x4000xf32> to vector<64xf32>
      %broadcast_in_dim3A_184 = vector.shape_cast %reduce_sum3A_183 : vector<64xf32> to vector<64x1xf32>
      %get3A_185 = arith.constant 448 : index
      %get3A_186 = arith.constant 0 : index
      %get3A_187 = vector.load %arg11[%get3A_185, %get3A_186] : memref<1024x128xf32, #tpu.memory_space<vmem>>, vector<64x128xf32>
      %broadcast_in_dim3A_188 = vector.shape_cast %broadcast_in_dim3A_184 : vector<64x1xf32> to vector<64x1xf32>
      %broadcast_in_dim3A_189 = vector.broadcast %broadcast_in_dim3A_188 : vector<64x1xf32> to vector<64x128xf32>
      %add3A_190 = arith.addf %get3A_187, %broadcast_in_dim3A_189 : vector<64x128xf32>
      %swap3A_191 = arith.constant 448 : index
      %swap3A_192 = arith.constant 0 : index
      %swap3A_193 = vector.load %arg11[%swap3A_191, %swap3A_192] : memref<1024x128xf32, #tpu.memory_space<vmem>>, vector<64x128xf32>
      tpu.vector_store %arg11[%swap3A_191, %swap3A_192], %add3A_190 {strides = array<i32>} : memref<1024x128xf32, #tpu.memory_space<vmem>>, vector<64x128xf32>,
    } else {
    }
    %ge3A_107 = arith.constant 512 : i32
    %ge3A_108 = arith.cmpi sge, %reduce_max3A_45, %ge3A_107 : i32
    %lt3A_109 = arith.constant 576 : i32
    %lt3A_110 = arith.cmpi slt, %reduce_min3A_41, %lt3A_109 : i32
    %and3A_111 = arith.andi %ge3A_108, %lt3A_110 : i1
    %convert_element_type3A_112 = arith.extui %and3A_111 : i1 to i32
    %cond3A_113 = arith.constant 0 : i32
    %cond3A_114 = arith.cmpi ne, %convert_element_type3A_112, %cond3A_113 : i32
    scf.if %cond3A_114 {
      %sub3A = arith.constant 512 : i32
      %sub3A_176 = vector.broadcast %sub3A : i32 to vector<1x4000xi32>
      %sub3A_177 = arith.subi %get3A_37, %sub3A_176 : vector<1x4000xi32>
      %eq3A_178 = vector.broadcast %sub3A_177 : vector<1x4000xi32> to vector<64x4000xi32>
      %eq3A_179 = arith.cmpi eq, %iota3A, %eq3A_178 : vector<64x4000xi32>
      %convert_element_type3A_180 = arith.extui %eq3A_179 : vector<64x4000xi1> to vector<64x4000xi32>
      %convert_element_type3A_181 = arith.sitofp %convert_element_type3A_180 : vector<64x4000xi32> to vector<64x4000xf32>
      %reduce_sum3A_182 = arith.constant dense<0.000000e+00> : vector<64xf32>
      %reduce_sum3A_183 = vector.multi_reduction <add>, %convert_element_type3A_181, %reduce_sum3A_182 [1] : vector<64x4000xf32> to vector<64xf32>
      %broadcast_in_dim3A_184 = vector.shape_cast %reduce_sum3A_183 : vector<64xf32> to vector<64x1xf32>
      %get3A_185 = arith.constant 512 : index
      %get3A_186 = arith.constant 0 : index
      %get3A_187 = vector.load %arg11[%get3A_185, %get3A_186] : memref<1024x128xf32, #tpu.memory_space<vmem>>, vector<64x128xf32>
      %broadcast_in_dim3A_188 = vector.shape_cast %broadcast_in_dim3A_184 : vector<64x1xf32> to vector<64x1xf32>
      %broadcast_in_dim3A_189 = vector.broadcast %broadcast_in_dim3A_188 : vector<64x1xf32> to vector<64x128xf32>
      %add3A_190 = arith.addf %get3A_187, %broadcast_in_dim3A_189 : vector<64x128xf32>
      %swap3A_191 = arith.constant 512 : index
      %swap3A_192 = arith.constant 0 : index
      %swap3A_193 = vector.load %arg11[%swap3A_191, %swap3A_192] : memref<1024x128xf32, #tpu.memory_space<vmem>>, vector<64x128xf32>
      tpu.vector_store %arg11[%swap3A_191, %swap3A_192], %add3A_190 {strides = array<i32>} : memref<1024x128xf32, #tpu.memory_space<vmem>>, vector<64x128xf32>,
    } else {
    }
    %ge3A_115 = arith.constant 576 : i32
    %ge3A_116 = arith.cmpi sge, %reduce_max3A_45, %ge3A_115 : i32
    %lt3A_117 = arith.constant 640 : i32
    %lt3A_118 = arith.cmpi slt, %reduce_min3A_41, %lt3A_117 : i32
    %and3A_119 = arith.andi %ge3A_116, %lt3A_118 : i1
    %convert_element_type3A_120 = arith.extui %and3A_119 : i1 to i32
    %cond3A_121 = arith.constant 0 : i32
    %cond3A_122 = arith.cmpi ne, %convert_element_type3A_120, %cond3A_121 : i32
    scf.if %cond3A_122 {
      %sub3A = arith.constant 576 : i32
      %sub3A_176 = vector.broadcast %sub3A : i32 to vector<1x4000xi32>
      %sub3A_177 = arith.subi %get3A_37, %sub3A_176 : vector<1x4000xi32>
      %eq3A_178 = vector.broadcast %sub3A_177 : vector<1x4000xi32> to vector<64x4000xi32>
      %eq3A_179 = arith.cmpi eq, %iota3A, %eq3A_178 : vector<64x4000xi32>
      %convert_element_type3A_180 = arith.extui %eq3A_179 : vector<64x4000xi1> to vector<64x4000xi32>
      %convert_element_type3A_181 = arith.sitofp %convert_element_type3A_180 : vector<64x4000xi32> to vector<64x4000xf32>
      %reduce_sum3A_182 = arith.constant dense<0.000000e+00> : vector<64xf32>
      %reduce_sum3A_183 = vector.multi_reduction <add>, %convert_element_type3A_181, %reduce_sum3A_182 [1] : vector<64x4000xf32> to vector<64xf32>
      %broadcast_in_dim3A_184 = vector.shape_cast %reduce_sum3A_183 : vector<64xf32> to vector<64x1xf32>
      %get3A_185 = arith.constant 576 : index
      %get3A_186 = arith.constant 0 : index
      %get3A_187 = vector.load %arg11[%get3A_185, %get3A_186] : memref<1024x128xf32, #tpu.memory_space<vmem>>, vector<64x128xf32>
      %broadcast_in_dim3A_188 = vector.shape_cast %broadcast_in_dim3A_184 : vector<64x1xf32> to vector<64x1xf32>
      %broadcast_in_dim3A_189 = vector.broadcast %broadcast_in_dim3A_188 : vector<64x1xf32> to vector<64x128xf32>
      %add3A_190 = arith.addf %get3A_187, %broadcast_in_dim3A_189 : vector<64x128xf32>
      %swap3A_191 = arith.constant 576 : index
      %swap3A_192 = arith.constant 0 : index
      %swap3A_193 = vector.load %arg11[%swap3A_191, %swap3A_192] : memref<1024x128xf32, #tpu.memory_space<vmem>>, vector<64x128xf32>
      tpu.vector_store %arg11[%swap3A_191, %swap3A_192], %add3A_190 {strides = array<i32>} : memref<1024x128xf32, #tpu.memory_space<vmem>>, vector<64x128xf32>,
    } else {
    }
    %ge3A_123 = arith.constant 640 : i32
    %ge3A_124 = arith.cmpi sge, %reduce_max3A_45, %ge3A_123 : i32
    %lt3A_125 = arith.constant 704 : i32
    %lt3A_126 = arith.cmpi slt, %reduce_min3A_41, %lt3A_125 : i32
    %and3A_127 = arith.andi %ge3A_124, %lt3A_126 : i1
    %convert_element_type3A_128 = arith.extui %and3A_127 : i1 to i32
    %cond3A_129 = arith.constant 0 : i32
    %cond3A_130 = arith.cmpi ne, %convert_element_type3A_128, %cond3A_129 : i32
    scf.if %cond3A_130 {
      %sub3A = arith.constant 640 : i32
      %sub3A_176 = vector.broadcast %sub3A : i32 to vector<1x4000xi32>
      %sub3A_177 = arith.subi %get3A_37, %sub3A_176 : vector<1x4000xi32>
      %eq3A_178 = vector.broadcast %sub3A_177 : vector<1x4000xi32> to vector<64x4000xi32>
      %eq3A_179 = arith.cmpi eq, %iota3A, %eq3A_178 : vector<64x4000xi32>
      %convert_element_type3A_180 = arith.extui %eq3A_179 : vector<64x4000xi1> to vector<64x4000xi32>
      %convert_element_type3A_181 = arith.sitofp %convert_element_type3A_180 : vector<64x4000xi32> to vector<64x4000xf32>
      %reduce_sum3A_182 = arith.constant dense<0.000000e+00> : vector<64xf32>
      %reduce_sum3A_183 = vector.multi_reduction <add>, %convert_element_type3A_181, %reduce_sum3A_182 [1] : vector<64x4000xf32> to vector<64xf32>
      %broadcast_in_dim3A_184 = vector.shape_cast %reduce_sum3A_183 : vector<64xf32> to vector<64x1xf32>
      %get3A_185 = arith.constant 640 : index
      %get3A_186 = arith.constant 0 : index
      %get3A_187 = vector.load %arg11[%get3A_185, %get3A_186] : memref<1024x128xf32, #tpu.memory_space<vmem>>, vector<64x128xf32>
      %broadcast_in_dim3A_188 = vector.shape_cast %broadcast_in_dim3A_184 : vector<64x1xf32> to vector<64x1xf32>
      %broadcast_in_dim3A_189 = vector.broadcast %broadcast_in_dim3A_188 : vector<64x1xf32> to vector<64x128xf32>
      %add3A_190 = arith.addf %get3A_187, %broadcast_in_dim3A_189 : vector<64x128xf32>
      %swap3A_191 = arith.constant 640 : index
      %swap3A_192 = arith.constant 0 : index
      %swap3A_193 = vector.load %arg11[%swap3A_191, %swap3A_192] : memref<1024x128xf32, #tpu.memory_space<vmem>>, vector<64x128xf32>
      tpu.vector_store %arg11[%swap3A_191, %swap3A_192], %add3A_190 {strides = array<i32>} : memref<1024x128xf32, #tpu.memory_space<vmem>>, vector<64x128xf32>,
    } else {
    }
    %ge3A_131 = arith.constant 704 : i32
    %ge3A_132 = arith.cmpi sge, %reduce_max3A_45, %ge3A_131 : i32
    %lt3A_133 = arith.constant 768 : i32
    %lt3A_134 = arith.cmpi slt, %reduce_min3A_41, %lt3A_133 : i32
    %and3A_135 = arith.andi %ge3A_132, %lt3A_134 : i1
    %convert_element_type3A_136 = arith.extui %and3A_135 : i1 to i32
    %cond3A_137 = arith.constant 0 : i32
    %cond3A_138 = arith.cmpi ne, %convert_element_type3A_136, %cond3A_137 : i32
    scf.if %cond3A_138 {
      %sub3A = arith.constant 704 : i32
      %sub3A_176 = vector.broadcast %sub3A : i32 to vector<1x4000xi32>
      %sub3A_177 = arith.subi %get3A_37, %sub3A_176 : vector<1x4000xi32>
      %eq3A_178 = vector.broadcast %sub3A_177 : vector<1x4000xi32> to vector<64x4000xi32>
      %eq3A_179 = arith.cmpi eq, %iota3A, %eq3A_178 : vector<64x4000xi32>
      %convert_element_type3A_180 = arith.extui %eq3A_179 : vector<64x4000xi1> to vector<64x4000xi32>
      %convert_element_type3A_181 = arith.sitofp %convert_element_type3A_180 : vector<64x4000xi32> to vector<64x4000xf32>
      %reduce_sum3A_182 = arith.constant dense<0.000000e+00> : vector<64xf32>
      %reduce_sum3A_183 = vector.multi_reduction <add>, %convert_element_type3A_181, %reduce_sum3A_182 [1] : vector<64x4000xf32> to vector<64xf32>
      %broadcast_in_dim3A_184 = vector.shape_cast %reduce_sum3A_183 : vector<64xf32> to vector<64x1xf32>
      %get3A_185 = arith.constant 704 : index
      %get3A_186 = arith.constant 0 : index
      %get3A_187 = vector.load %arg11[%get3A_185, %get3A_186] : memref<1024x128xf32, #tpu.memory_space<vmem>>, vector<64x128xf32>
      %broadcast_in_dim3A_188 = vector.shape_cast %broadcast_in_dim3A_184 : vector<64x1xf32> to vector<64x1xf32>
      %broadcast_in_dim3A_189 = vector.broadcast %broadcast_in_dim3A_188 : vector<64x1xf32> to vector<64x128xf32>
      %add3A_190 = arith.addf %get3A_187, %broadcast_in_dim3A_189 : vector<64x128xf32>
      %swap3A_191 = arith.constant 704 : index
      %swap3A_192 = arith.constant 0 : index
      %swap3A_193 = vector.load %arg11[%swap3A_191, %swap3A_192] : memref<1024x128xf32, #tpu.memory_space<vmem>>, vector<64x128xf32>
      tpu.vector_store %arg11[%swap3A_191, %swap3A_192], %add3A_190 {strides = array<i32>} : memref<1024x128xf32, #tpu.memory_space<vmem>>, vector<64x128xf32>,
    } else {
    }
    %ge3A_139 = arith.constant 768 : i32
    %ge3A_140 = arith.cmpi sge, %reduce_max3A_45, %ge3A_139 : i32
    %lt3A_141 = arith.constant 832 : i32
    %lt3A_142 = arith.cmpi slt, %reduce_min3A_41, %lt3A_141 : i32
    %and3A_143 = arith.andi %ge3A_140, %lt3A_142 : i1
    %convert_element_type3A_144 = arith.extui %and3A_143 : i1 to i32
    %cond3A_145 = arith.constant 0 : i32
    %cond3A_146 = arith.cmpi ne, %convert_element_type3A_144, %cond3A_145 : i32
    scf.if %cond3A_146 {
      %sub3A = arith.constant 768 : i32
      %sub3A_176 = vector.broadcast %sub3A : i32 to vector<1x4000xi32>
      %sub3A_177 = arith.subi %get3A_37, %sub3A_176 : vector<1x4000xi32>
      %eq3A_178 = vector.broadcast %sub3A_177 : vector<1x4000xi32> to vector<64x4000xi32>
      %eq3A_179 = arith.cmpi eq, %iota3A, %eq3A_178 : vector<64x4000xi32>
      %convert_element_type3A_180 = arith.extui %eq3A_179 : vector<64x4000xi1> to vector<64x4000xi32>
      %convert_element_type3A_181 = arith.sitofp %convert_element_type3A_180 : vector<64x4000xi32> to vector<64x4000xf32>
      %reduce_sum3A_182 = arith.constant dense<0.000000e+00> : vector<64xf32>
      %reduce_sum3A_183 = vector.multi_reduction <add>, %convert_element_type3A_181, %reduce_sum3A_182 [1] : vector<64x4000xf32> to vector<64xf32>
      %broadcast_in_dim3A_184 = vector.shape_cast %reduce_sum3A_183 : vector<64xf32> to vector<64x1xf32>
      %get3A_185 = arith.constant 768 : index
      %get3A_186 = arith.constant 0 : index
      %get3A_187 = vector.load %arg11[%get3A_185, %get3A_186] : memref<1024x128xf32, #tpu.memory_space<vmem>>, vector<64x128xf32>
      %broadcast_in_dim3A_188 = vector.shape_cast %broadcast_in_dim3A_184 : vector<64x1xf32> to vector<64x1xf32>
      %broadcast_in_dim3A_189 = vector.broadcast %broadcast_in_dim3A_188 : vector<64x1xf32> to vector<64x128xf32>
      %add3A_190 = arith.addf %get3A_187, %broadcast_in_dim3A_189 : vector<64x128xf32>
      %swap3A_191 = arith.constant 768 : index
      %swap3A_192 = arith.constant 0 : index
      %swap3A_193 = vector.load %arg11[%swap3A_191, %swap3A_192] : memref<1024x128xf32, #tpu.memory_space<vmem>>, vector<64x128xf32>
      tpu.vector_store %arg11[%swap3A_191, %swap3A_192], %add3A_190 {strides = array<i32>} : memref<1024x128xf32, #tpu.memory_space<vmem>>, vector<64x128xf32>,
    } else {
    }
    %ge3A_147 = arith.constant 832 : i32
    %ge3A_148 = arith.cmpi sge, %reduce_max3A_45, %ge3A_147 : i32
    %lt3A_149 = arith.constant 896 : i32
    %lt3A_150 = arith.cmpi slt, %reduce_min3A_41, %lt3A_149 : i32
    %and3A_151 = arith.andi %ge3A_148, %lt3A_150 : i1
    %convert_element_type3A_152 = arith.extui %and3A_151 : i1 to i32
    %cond3A_153 = arith.constant 0 : i32
    %cond3A_154 = arith.cmpi ne, %convert_element_type3A_152, %cond3A_153 : i32
    scf.if %cond3A_154 {
      %sub3A = arith.constant 832 : i32
      %sub3A_176 = vector.broadcast %sub3A : i32 to vector<1x4000xi32>
      %sub3A_177 = arith.subi %get3A_37, %sub3A_176 : vector<1x4000xi32>
      %eq3A_178 = vector.broadcast %sub3A_177 : vector<1x4000xi32> to vector<64x4000xi32>
      %eq3A_179 = arith.cmpi eq, %iota3A, %eq3A_178 : vector<64x4000xi32>
      %convert_element_type3A_180 = arith.extui %eq3A_179 : vector<64x4000xi1> to vector<64x4000xi32>
      %convert_element_type3A_181 = arith.sitofp %convert_element_type3A_180 : vector<64x4000xi32> to vector<64x4000xf32>
      %reduce_sum3A_182 = arith.constant dense<0.000000e+00> : vector<64xf32>
      %reduce_sum3A_183 = vector.multi_reduction <add>, %convert_element_type3A_181, %reduce_sum3A_182 [1] : vector<64x4000xf32> to vector<64xf32>
      %broadcast_in_dim3A_184 = vector.shape_cast %reduce_sum3A_183 : vector<64xf32> to vector<64x1xf32>
      %get3A_185 = arith.constant 832 : index
      %get3A_186 = arith.constant 0 : index
      %get3A_187 = vector.load %arg11[%get3A_185, %get3A_186] : memref<1024x128xf32, #tpu.memory_space<vmem>>, vector<64x128xf32>
      %broadcast_in_dim3A_188 = vector.shape_cast %broadcast_in_dim3A_184 : vector<64x1xf32> to vector<64x1xf32>
      %broadcast_in_dim3A_189 = vector.broadcast %broadcast_in_dim3A_188 : vector<64x1xf32> to vector<64x128xf32>
      %add3A_190 = arith.addf %get3A_187, %broadcast_in_dim3A_189 : vector<64x128xf32>
      %swap3A_191 = arith.constant 832 : index
      %swap3A_192 = arith.constant 0 : index
      %swap3A_193 = vector.load %arg11[%swap3A_191, %swap3A_192] : memref<1024x128xf32, #tpu.memory_space<vmem>>, vector<64x128xf32>
      tpu.vector_store %arg11[%swap3A_191, %swap3A_192], %add3A_190 {strides = array<i32>} : memref<1024x128xf32, #tpu.memory_space<vmem>>, vector<64x128xf32>,
    } else {
    }
    %ge3A_155 = arith.constant 896 : i32
    %ge3A_156 = arith.cmpi sge, %reduce_max3A_45, %ge3A_155 : i32
    %lt3A_157 = arith.constant 960 : i32
    %lt3A_158 = arith.cmpi slt, %reduce_min3A_41, %lt3A_157 : i32
    %and3A_159 = arith.andi %ge3A_156, %lt3A_158 : i1
    %convert_element_type3A_160 = arith.extui %and3A_159 : i1 to i32
    %cond3A_161 = arith.constant 0 : i32
    %cond3A_162 = arith.cmpi ne, %convert_element_type3A_160, %cond3A_161 : i32
    scf.if %cond3A_162 {
      %sub3A = arith.constant 896 : i32
      %sub3A_176 = vector.broadcast %sub3A : i32 to vector<1x4000xi32>
      %sub3A_177 = arith.subi %get3A_37, %sub3A_176 : vector<1x4000xi32>
      %eq3A_178 = vector.broadcast %sub3A_177 : vector<1x4000xi32> to vector<64x4000xi32>
      %eq3A_179 = arith.cmpi eq, %iota3A, %eq3A_178 : vector<64x4000xi32>
      %convert_element_type3A_180 = arith.extui %eq3A_179 : vector<64x4000xi1> to vector<64x4000xi32>
      %convert_element_type3A_181 = arith.sitofp %convert_element_type3A_180 : vector<64x4000xi32> to vector<64x4000xf32>
      %reduce_sum3A_182 = arith.constant dense<0.000000e+00> : vector<64xf32>
      %reduce_sum3A_183 = vector.multi_reduction <add>, %convert_element_type3A_181, %reduce_sum3A_182 [1] : vector<64x4000xf32> to vector<64xf32>
      %broadcast_in_dim3A_184 = vector.shape_cast %reduce_sum3A_183 : vector<64xf32> to vector<64x1xf32>
      %get3A_185 = arith.constant 896 : index
      %get3A_186 = arith.constant 0 : index
      %get3A_187 = vector.load %arg11[%get3A_185, %get3A_186] : memref<1024x128xf32, #tpu.memory_space<vmem>>, vector<64x128xf32>
      %broadcast_in_dim3A_188 = vector.shape_cast %broadcast_in_dim3A_184 : vector<64x1xf32> to vector<64x1xf32>
      %broadcast_in_dim3A_189 = vector.broadcast %broadcast_in_dim3A_188 : vector<64x1xf32> to vector<64x128xf32>
      %add3A_190 = arith.addf %get3A_187, %broadcast_in_dim3A_189 : vector<64x128xf32>
      %swap3A_191 = arith.constant 896 : index
      %swap3A_192 = arith.constant 0 : index
      %swap3A_193 = vector.load %arg11[%swap3A_191, %swap3A_192] : memref<1024x128xf32, #tpu.memory_space<vmem>>, vector<64x128xf32>
      tpu.vector_store %arg11[%swap3A_191, %swap3A_192], %add3A_190 {strides = array<i32>} : memref<1024x128xf32, #tpu.memory_space<vmem>>, vector<64x128xf32>,
    } else {
    }
    %ge3A_163 = arith.constant 960 : i32
    %ge3A_164 = arith.cmpi sge, %reduce_max3A_45, %ge3A_163 : i32
    %lt3A_165 = arith.constant 1024 : i32
    %lt3A_166 = arith.cmpi slt, %reduce_min3A_41, %lt3A_165 : i32
    %and3A_167 = arith.andi %ge3A_164, %lt3A_166 : i1
    %convert_element_type3A_168 = arith.extui %and3A_167 : i1 to i32
    %cond3A_169 = arith.constant 0 : i32
    %cond3A_170 = arith.cmpi ne, %convert_element_type3A_168, %cond3A_169 : i32
    scf.if %cond3A_170 {
      %sub3A = arith.constant 960 : i32
      %sub3A_176 = vector.broadcast %sub3A : i32 to vector<1x4000xi32>
      %sub3A_177 = arith.subi %get3A_37, %sub3A_176 : vector<1x4000xi32>
      %eq3A_178 = vector.broadcast %sub3A_177 : vector<1x4000xi32> to vector<64x4000xi32>
      %eq3A_179 = arith.cmpi eq, %iota3A, %eq3A_178 : vector<64x4000xi32>
      %convert_element_type3A_180 = arith.extui %eq3A_179 : vector<64x4000xi1> to vector<64x4000xi32>
      %convert_element_type3A_181 = arith.sitofp %convert_element_type3A_180 : vector<64x4000xi32> to vector<64x4000xf32>
      %reduce_sum3A_182 = arith.constant dense<0.000000e+00> : vector<64xf32>
      %reduce_sum3A_183 = vector.multi_reduction <add>, %convert_element_type3A_181, %reduce_sum3A_182 [1] : vector<64x4000xf32> to vector<64xf32>
      %broadcast_in_dim3A_184 = vector.shape_cast %reduce_sum3A_183 : vector<64xf32> to vector<64x1xf32>
      %get3A_185 = arith.constant 960 : index
      %get3A_186 = arith.constant 0 : index
      %get3A_187 = vector.load %arg11[%get3A_185, %get3A_186] : memref<1024x128xf32, #tpu.memory_space<vmem>>, vector<64x128xf32>
      %broadcast_in_dim3A_188 = vector.shape_cast %broadcast_in_dim3A_184 : vector<64x1xf32> to vector<64x1xf32>
      %broadcast_in_dim3A_189 = vector.broadcast %broadcast_in_dim3A_188 : vector<64x1xf32> to vector<64x128xf32>
      %add3A_190 = arith.addf %get3A_187, %broadcast_in_dim3A_189 : vector<64x128xf32>
      %swap3A_191 = arith.constant 960 : index
      %swap3A_192 = arith.constant 0 : index
      %swap3A_193 = vector.load %arg11[%swap3A_191, %swap3A_192] : memref<1024x128xf32, #tpu.memory_space<vmem>>, vector<64x128xf32>
      tpu.vector_store %arg11[%swap3A_191, %swap3A_192], %add3A_190 {strides = array<i32>} : memref<1024x128xf32, #tpu.memory_space<vmem>>, vector<64x128xf32>,
    } else {
    }
    %eq3A_171 = arith.constant 24 : i32
    %eq3A_172 = arith.cmpi eq, %arg0, %eq3A_171 : i32
    %convert_element_type3A_173 = arith.extui %eq3A_172 : i1 to i32
    %cond3A_174 = arith.constant 0 : i32
    %cond3A_175 = arith.cmpi ne, %convert_element_type3A_173, %cond3A_174 : i32
    scf.if %cond3A_175 {
      %get3A_176 = arith.constant 0 : index
      %get3A_177 = arith.constant 0 : index
      %get3A_178 = vector.load %arg10[%get3A_176, %get3A_177] : memref<1x128xf32, #tpu.memory_space<vmem>>, vector<1x128xf32>
      %swap3A_179 = arith.constant 0 : index
      %swap3A_180 = arith.constant 0 : index
      %swap3A_181 = vector.load %arg8[%swap3A_179, %swap3A_180] : memref<1x128xf32, #tpu.memory_space<vmem>>, vector<1x128xf32>
      tpu.vector_store %arg8[%swap3A_179, %swap3A_180], %get3A_178 {strides = array<i32>} : memref<1x128xf32, #tpu.memory_space<vmem>>, vector<1x128xf32>,
      %get3A_182 = arith.constant 0 : index
      %get3A_183 = arith.constant 0 : index
      %get3A_184 = vector.load %arg11[%get3A_182, %get3A_183] : memref<1024x128xf32, #tpu.memory_space<vmem>>, vector<1024x128xf32>
      %swap3A_185 = arith.constant 0 : index
      %swap3A_186 = arith.constant 0 : index
      %swap3A_187 = vector.load %arg9[%swap3A_185, %swap3A_186] : memref<1024x128xf32, #tpu.memory_space<vmem>>, vector<1024x128xf32>
      tpu.vector_store %arg9[%swap3A_185, %swap3A_186], %get3A_184 {strides = array<i32>} : memref<1024x128xf32, #tpu.memory_space<vmem>>, vector<1024x128xf32>,
    } else {
    }
    return
  }
  func.func @transform_0(%arg0: i32) -> (i32, i32) {
    %c0_i32 = arith.constant 0 : i32
    %c0_i32_0 = arith.constant 0 : i32
    return %arg0, %c0_i32 : i32, i32
  }
  func.func @transform_1(%arg0: i32) -> (i32, i32, i32) {
    %c0_i32 = arith.constant 0 : i32
    %c0_i32_0 = arith.constant 0 : i32
    %c0_i32_1 = arith.constant 0 : i32
    return %arg0, %c0_i32, %c0_i32_0 : i32, i32, i32
  }
  func.func @transform_2(%arg0: i32) -> (i32, i32) {
    %c0_i32 = arith.constant 0 : i32
    %c0_i32_0 = arith.constant 0 : i32
    %c0_i32_1 = arith.constant 0 : i32
    return %c0_i32, %c0_i32_0 : i32, i32
  }
  func.func @transform_3(%arg0: i32) -> (i32, i32) {
    %c0_i32 = arith.constant 0 : i32
    %c0_i32_0 = arith.constant 0 : i32
    %c0_i32_1 = arith.constant 0 : i32
    return %c0_i32, %c0_i32_0 : i32, i32
  }
  func.func @transform_4(%arg0: i32) -> (i32, i32) {
    %c0_i32 = arith.constant 0 : i32
    %c0_i32_0 = arith.constant 0 : i32
    %c0_i32_1 = arith.constant 0 : i32
    return %c0_i32, %c0_i32_0 : i32, i32
  }
  func.func @transform_5(%arg0: i32) -> (i32, i32) {
    %c0_i32 = arith.constant 0 : i32
    %c0_i32_0 = arith.constant 0 : i32
    %c0_i32_1 = arith.constant 0 : i32
    return %c0_i32, %c0_i32_0 : i32, i32
  }
  func.func @transform_6(%arg0: i32) -> (i32, i32) {
    %c0_i32 = arith.constant 0 : i32
    %c0_i32_0 = arith.constant 0 : i32
    return %arg0, %c0_i32 : i32, i32
  }
  func.func @transform_7(%arg0: i32) -> (i32, i32) {
    %c0_i32 = arith.constant 0 : i32
    %c0_i32_0 = arith.constant 0 : i32
    %c0_i32_1 = arith.constant 0 : i32
    return %c0_i32, %c0_i32_0 : i32, i32
  }
  func.func @transform_8(%arg0: i32) -> (i32, i32) {
    %c0_i32 = arith.constant 0 : i32
    %c0_i32_0 = arith.constant 0 : i32
    %c0_i32_1 = arith.constant 0 : i32
    return %c0_i32, %c0_i32_0 : i32, i32
  }
}

</mosaic_0001>

<sc_bundles>
// kernel: _run.5.cloned.1.call-start
scs
__scs_entry_jumppad:
0x0: {  	(pc) =	sbr.rel $0x88, $3  }
0x1: {  	(tag) =	ssettag $0x0;
	lr =	simm.s32 $0x1  }
0x2: {  	[smem:$0x3F98] =	sst lr;
	_ =	strace $0xD0000000  }
0x3: {  	_ = 	snop  }
0x4: {  	_ = 	snop  }
0x5: {  	_ = 	snop  }
0x6: {  	_ = 	snop  }
0x7: {  	_ = 	snop  }
__scs_overlays_trampoline_lowered:
0x8: {  	[smem:$0x3FA7] =	sst s0  }
0x9: {  	[smem:$0x3FA8] =	sst s1  }
0xa: {  	[smem:$0x3FA9] =	sst s2  }
0xb: {  	[smem:$0x3FAA] =	sst s3  }
0xc: {  	[smem:$0x3FAB] =	sst s4  }
0xd: {  	[smem:$0x3FAC] =	sst s5  }
0xe: {  	[smem:$0x3FAD] =	sst s6  }
0xf: {  	[smem:$0x3FAE] =	sst s7  }
0x10: {  	[smem:$0x3FAF] =	sst s8  }
0x11: {  	[smem:$0x3FB0] =	sst s9;
	s0 =	simm.s32 @!p0 $0x0  }
0x12: {  	s1 =	sld [smem:$0x3F96];
	s0 =	simm.s32 @p0 $0x1  }
0x13: {  	[smem:$0x3FB1] =	sst s0;
	s0 =	simm.s32 @!p1 $0x0  }
0x14: {  	s2 =	sld [smem:$0x3F95];
	s0 =	simm.s32 @p1 $0x1  }
0x15: {  	[smem:$0x3FB2] =	sst s0;
	s0 =	simm.s32 @!p2 $0x0  }
0x16: {  	s3 =	sld [smem:$0x3FDB];
	s0 =	simm.s32 @p2 $0x1  }
0x17: {  	s4 =	simm.s32 $0x1BF5;
	[smem:$0x3FB4] =	sst s0  }
0x18: {  	s0 =	sld [smem:$0x3F97];
	_ =	swait.ge [sflag:s4], $0x0  }
0x19: {  	s7 =	sld [smem:$0x3F98]  }
0x1a: {  	s8 =	sadd.s32 $0xFFFFE003, lr  }
0x1b: {  	s9 =	sadd.s32 $0xFFFFFEF7, lr;
	s5 =	simm.s32 $0xFFFFFFFF;
	p2 =	slt.u32 s8, $0xFFFFF086  }
0x1c: {  	p1 =	slt.u32 s9, $0xF7A;
	s5 =	simm.s32 @!p2 $0x0  }
0x1d: {  	s5 =	simm.s32 @p1 $0x1;
	p0 =	seq.s32 s7, s2  }
0x1e: {  	s7 =	smul.u32 @!p0 $0xF7A, s2;
	p2 =	seq.s32 @!p0 s5, $0x0  }
0x1f: {  	s9 =	smul.u32 $0xF7A, s1;
	s8 =	simm.s32 @!p0 $0x1BF5;
	p2 =	por !p2, p0  }
0x20: {  	[sflag:s8] =	ssyncset.s32 @!p0 $0xFFFFF086;
	s6 =	sadd.s32 @!p0 s3, s7;
	s7 =	simm.s32 @!p0 $0x108  }
0x21: {  	s3 =	sadd.s32 s3, s9;
	s6 =	sadd.s32 @!p0 $0x88, s6;
	s7 =	simm.s32 @p2 $0x1082  }
0x22: {  	[simem:s7], [sflag:s8] =	dma.local @!p0 [hbm:s6], $0xF7A  }
0x23: {  	s9 =	sor.u32 $0xD0000000, s2;
	s6 =	simm.s32 $0x108;
	_ =	swait.ge @!p0 [sflag:s8], $0x0  }
0x24: {  	s3 =	sadd.s32 $0x88, s3;
	s6 =	simm.s32 @!p1 $0x1082;
	[sflag:s4] =	ssyncset.s32 $0xFFFFF086  }
0x25: {  	[simem:s6], [sflag:s4] =	dma.local [hbm:s3], $0xF7A  }
0x26: {  	[smem:$0x3F98] =	sst s1;
	(tag) =	ssettag s2;
	_ =	strace s9  }
0x27: {  	s1 =	sld [smem:$0x3FA8]  }
0x28: {  	s2 =	sld [smem:$0x3FA9]  }
0x29: {  	s4 =	sld [smem:$0x3FAB]  }
0x2a: {  	p0 =	seq.s32 s5, $0x0;
	s5 =	sld [smem:$0x3FAC]  }
0x2b: {  	s6 =	sld [smem:$0x3FAD]  }
0x2c: {  	s7 =	sld [smem:$0x3FAE]  }
0x2d: {  	s3 =	simm.s32 $0x108;
	s8 =	sld [smem:$0x3FAF]  }
0x2e: {  	s3 =	simm.s32 @!p0 $0x1082;
	s9 =	sld [smem:$0x3FB0]  }
0x2f: {  	lr =	sadd.s32 s0, s3;
	s0 =	sld [smem:$0x3FA7]  }
0x30: {  	s3 =	sld [smem:$0x3FAA]  }
0x31: {  	[smem:$0x3FB3] =	sst s10  }
0x32: {  	s10 =	sld [smem:$0x3FB1];
	_ =	sdelay $0x3  }
0x33: {  	p0 =	seq.s32 s10, $0x1;
	s10 =	sld [smem:$0x3FB3];
	_ =	sdelay $0x3  }
0x34: {  	[smem:$0x3FB3] =	sst s10  }
0x35: {  	s10 =	sld [smem:$0x3FB2];
	_ =	sdelay $0x3  }
0x36: {  	p1 =	seq.s32 s10, $0x1;
	s10 =	sld [smem:$0x3FB3];
	_ =	sdelay $0x3  }
0x37: {  	[smem:$0x3FB3] =	sst s10  }
0x38: {  	s10 =	sld [smem:$0x3FB4]  }
0x39: {  	_ = 	snop;
	(pc) =	sbr.ind lr, $3  }
0x3a: {  	_ = 	snop  }
0x3b: {  	_ = 	snop  }
0x3c: {  	p2 =	seq.s32 s10, $0x1;
	s10 =	sld [smem:$0x3FB3]  }
0x3d: {  	_ =	shalt  }
0x3e: {  	_ =	shalt  }
0x3f: {  	_ =	shalt  }
0x40: {  	_ =	shalt  }
0x41: {  	_ =	shalt  }
0x42: {  	_ =	shalt  }
0x43: {  	_ =	shalt  }
0x44: {  	_ =	shalt  }
0x45: {  	_ =	shalt  }
0x46: {  	_ =	shalt  }
0x47: {  	_ =	shalt  }
0x48: {  	_ =	shalt  }
0x49: {  	_ =	shalt  }
0x4a: {  	_ =	shalt  }
0x4b: {  	_ =	shalt  }
0x4c: {  	_ =	shalt  }
0x4d: {  	_ =	shalt  }
0x4e: {  	_ =	shalt  }
0x4f: {  	_ =	shalt  }
0x50: {  	_ =	shalt  }
0x51: {  	_ =	shalt  }
0x52: {  	_ =	shalt  }
0x53: {  	_ =	shalt  }
0x54: {  	_ =	shalt  }
0x55: {  	_ =	shalt  }
0x56: {  	_ =	shalt  }
0x57: {  	_ =	shalt  }
0x58: {  	_ =	shalt  }
0x59: {  	_ =	shalt  }
0x5a: {  	_ =	shalt  }
0x5b: {  	_ =	shalt  }
0x5c: {  	_ =	shalt  }
0x5d: {  	_ =	shalt  }
0x5e: {  	_ =	shalt  }
0x5f: {  	_ =	shalt  }
0x60: {  	_ =	shalt  }
0x61: {  	_ =	shalt  }
0x62: {  	_ =	shalt  }
0x63: {  	_ =	shalt  }
0x64: {  	_ =	shalt  }
0x65: {  	_ =	shalt  }
0x66: {  	_ =	shalt  }
0x67: {  	_ =	shalt  }
0x68: {  	_ =	shalt  }
0x69: {  	_ =	shalt  }
0x6a: {  	_ =	shalt  }
0x6b: {  	_ =	shalt  }
0x6c: {  	_ =	shalt  }
0x6d: {  	_ =	shalt  }
0x6e: {  	_ =	shalt  }
0x6f: {  	_ =	shalt  }
0x70: {  	_ =	shalt  }
0x71: {  	_ =	shalt  }
0x72: {  	_ =	shalt  }
0x73: {  	_ =	shalt  }
0x74: {  	_ =	shalt  }
0x75: {  	_ =	shalt  }
0x76: {  	_ =	shalt  }
0x77: {  	_ =	shalt  }
0x78: {  	_ =	shalt  }
0x79: {  	_ =	shalt  }
0x7a: {  	_ =	shalt  }
0x7b: {  	_ =	shalt  }
0x7c: {  	_ =	shalt  }
0x7d: {  	_ =	shalt  }
0x7e: {  	_ =	shalt  }
0x7f: {  	_ =	shalt  }
0x80: {  	_ =	shalt  }
0x81: {  	_ =	shalt  }
0x82: {  	_ =	shalt  }
0x83: {  	_ =	shalt  }
0x84: {  	_ =	shalt  }
0x85: {  	_ =	shalt  }
0x86: {  	_ =	shalt  }
0x87: {  	_ =	shalt  }
.Lfunc_end0:
.L_simem_size_0:
called_computation_lowered:
.L_overlay_start_0:
0x88: {  	s2 =	sld [smem:$0x3FD9]  }
0x89: {  	s3 =	sld [smem:$0x3FFE];
	_ =	sdelay $0x1  }
0x8a: {  	s1 =	srdreg.scid  }
0x8b: {  	s0 =	sand.u32 $0x1, s1  }
0x8c: {  	s17 =	sshll.u32 s0, $0xA;
	s2 =	sadd.s32 s3, s2  }
0x8d: {  	s2 =	sadd.s32 s2, s17  }
0x8e: {  	[smem:$0x3FBF] =	sst s2  }
0x8f: {  	_ = 	snop  }
0x90: {  	s2 =	sld [smem:$0x3FC8];
	(tm) =	ssettm $0x1  }
0x91: {  	s18 =	sld [smem:$0x3FFB];
	_ =	sdelay $0x3  }
0x92: {  	_ =	strace s18  }
0x93: {  	s3 =	sld [smem:$0x3FFC];
	_ =	sdelay $0x3  }
0x94: {  	_ =	strace s3  }
0x95: {  	s3 =	sld [smem:$0x3FFD];
	_ =	sdelay $0x3  }
0x96: {  	_ =	strace s3  }
0x97: {  	_ =	strace $0x8FFFFFFF  }
0x98: {  	s19 =	sld [smem:$0x3FDB];
	_ =	sdelay $0x1  }
0x99: {  	s4 =	simm.s32 $_scs_section_size  }
0x9a: {  	s5 =	simm.s32 $_size__tile_overlayer_lowered;
	s6 =	simm.s32 $_tile_overlayer_lowered  }
0x9b: {  	s22 =	simm.s32 $0x1BFF;
	s21 =	sshll.u32 s6, $0x1;
	s3 =	sadd.s32 s4, s19  }
0x9c: {  	s7 =	simm.s32 $0x0;
	s20 =	sshll.u32 s5, $0x1;
	s5 =	sadd.s32 s21, s3  }
0x9d: {  	[timem:s7], [sflag:s22] =	dma.local [hbm:s5], s20  }
0x9e: {  	_ =	swait.ge [sflag:s22], s20  }
0x9f: {  	s4 =	ssub.s32 $0x0, s20;
	[sflag:s22] =	ssyncset.done $0x0  }
0xa0: {  	[sflag:s22] =	ssyncadd.s32 s4;
	_ =	sdelay $0x1  }
0xa1: {  	s23 =	simm.s32 $0x1B8B  }
0xa2: {  	_ =	swait.ge [sflag:s23], $0x1  }
0xa3: {  	[sflag:s23] =	ssyncset.done $0x0  }
0xa4: {  	s25 =	simm.s32 $0x1B8E;
	s24 =	sld [smem:$0x3FFE];
	[sflag:s23] =	ssyncadd.s32 $0xFFFFFFFF  }
0xa5: {  	s26 =	simm.s32 $execute0_lowered;
	[smem:$0x3FD2] =	sst s25  }
0xa6: {  	s5 =	sshll.u32 s26, $0x1;
	_ =	strace $0x80000046;
	[dreg:$0x1] =	wrdreg $0xFFFFFFFF  }
0xa7: {  	s28 =	simm.s32 $_size_execute0_lowered;
	s3 =	sadd.s32 s3, s5;
	[dreg:$0x0] =	wrdreg $0x0  }
0xa8: {  	s5 =	sshll.u32 s28, $0x1;
	[dreg:$0x2] =	wrdreg s3  }
0xa9: {  	[dreg:$0x3] =	wrdreg s5  }
0xaa: {  	[dreg:$0x4] =	wrdreg $0xC0  }
0xab: {  	_ =	task [dreg:s7], $0x5FFFF  }
0xac: {  	[dreg:$0x1] =	wrdreg $0xFFFFFFFF  }
0xad: {  	[dreg:$0x0] =	wrdreg $0x60  }
0xae: {  	[dreg:$0x2] =	wrdreg s24  }
0xaf: {  	[dreg:$0x3] =	wrdreg s2  }
0xb0: {  	[dreg:$0x4] =	wrdreg $0x194000  }
0xb1: {  	[dreg:$0x5] =	wrdreg $0x9  }
0xb2: {  	_ =	task.clear_ibuf [dreg:s7], $0x6FFFF;
	_ =	strace $0x90000046  }
0xb3: {  	s29 =	simm.s32 $0x9;
	_ =	strace $0x80000048  }
0xb4: {  	_ =	swait.ge [sflag:s29], $0x1  }
0xb5: {  	[sflag:s29] =	ssyncadd.s32 $0xFFFFFFFF  }
0xb6: {  	_ =	strace $0x90000048  }
0xb7: {  	_ =	sfence  }
0xb8: {  	s30 =	sld [smem:$0x0];
	_ =	sdelay $0x2  }
0xb9: {  	s31 =	sshll.u32 s1, $0xD;
	s1 =	sshrl.u32 s1, $0x2  }
0xba: {  	s3 =	sand.u32 $0x4000, s31;
	s1 =	sadd.s32 s1, s30  }
0xbb: {  	s0 =	sor.u32 s3, s0;
	s1 =	sshll.u32 s1, $0x11  }
0xbc: {  	s0 =	sor.u32 s1, s0  }
0xbd: {  	s0 =	sadd.s32 $0x8F2B, s0  }
0xbe: {  	[sflag:s0] =	ssyncadd.remote.s32 $0x1  }
0xbf: {  	_ =	sfence.sel $0xFFFF  }
0xc0: {  	[dreg:$0x0] =	wrdreg $0xFFFFFFFF;
	(pc) =	sbr.abs _section_cstart, $3  }
0xc1: {  	[dreg:$0x1] =	wrdreg $0xFFFFFFFF  }
0xc2: {  	_ =	task.clear_ibuf [dreg:s7], $0x2FFFF;
	_ =	strace $0x9FFFFFFF  }
0xc3: {  	(tm) =	ssettm $0x7FFFFFFF  }
tec
execute0_lowered:
.L_overlay_start_1:
0x0: {  	(tag) =	ssettag $0x1  }
0x1: {  	s1 =	rddreg [dreg:$0x0]  }
0x2: {  	s16 =	rddreg [dreg:$0x1]  }
0x3: {  	s2 =	rddreg [dreg:$0x2];
	s0 =	srdreg.scid  }
0x4: {  	s23 =	stileid.u32;
	s3 =	simm.s32 $0x0;
	s0 =	sand.u32 $0x1, s0  }
0x5: {  	s4 =	sshll.u32 s23, $0x1;
	[smem:$0x7FF] =	sst s3;
	s5 =	sshll.u32 s23, $0xA  }
0x6: {  	s19 =	sadd.s32 $0x1600, s1;
	s8 =	sshll.u32 s23, $0xD;
	s17 =	sor.u32 s0, s4  }
0x7: {  	_ =	strace $0x80000047;
	s9 =	sadd.s32 s5, s1;
	s10 =	smul.u32 $0x32, s17  }
0x8: {  	s4 =	sadd.s32 $0x188000, s9;
	s6 =	smul.u32 $0x1900, s17;
	s12 =	sor.u32 $0x20, s17  }
0x9: {  	s18 =	sor.u32 $0x40, s17;
	s7 =	sor.u32 $0x60, s17;
	s14 =	smul.u32 $0x32, s12  }
0xa: {  	s26 =	sor.u32 $0x80, s17;
	[dreg:$0x4] =	wrdreg s4;
	s5 =	smul.u32 $0x1900, s12  }
0xb: {  	s11 =	sadd.s32 s16, s10;
	s10 =	sadd.s32 s8, s2;
	s8 =	rddreg [dreg:$0x4]  }
0xc: {  	s20 =	smul.u32 $0x32, s18;
	s13 =	sadd.s32 s19, s6;
	[dreg:$0x5] =	wrdreg s11  }
0xd: {  	s21 =	smul.u32 $0x32, s7;
	[dreg:$0x6] =	wrdreg s13;
	s15 =	sadd.s32 s16, s14  }
0xe: {  	s24 =	smul.u32 $0x1900, s7;
	s5 =	sadd.s32 s19, s5;
	[dreg:$0x7] =	wrdreg s15  }
0xf: {  	s7 =	smul.u32 $0x32, s26;
	s4 =	sadd.s32 s16, s20;
	[dreg:$0x8] =	wrdreg s5  }
0x10: {  	s6 =	smul.u32 $0x1900, s18;
	s25 =	sadd.s32 s16, s21;
	[dreg:$0x9] =	wrdreg s4  }
0x11: {  	s9 =	sadd.s32 s16, s7;
	[dreg:$0xb] =	wrdreg s25  }
0x12: {  	s13 =	sor.u32 $0xA0, s17;
	s22 =	sadd.s32 s19, s6;
	[dreg:$0xd] =	wrdreg s9  }
0x13: {  	s6 =	sadd.s32 s19, s24;
	s5 =	smul.u32 $0x1900, s26;
	[dreg:$0xa] =	wrdreg s22  }
0x14: {  	s11 =	smul.u32 $0x32, s13;
	s15 =	sshrl.u32 s10, $0x3;
	[dreg:$0xc] =	wrdreg s6  }
0x15: {  	[dreg:$0x10] =	wrdreg s15;
	s5 =	sadd.s32 s19, s5  }
0x16: {  	s12 =	sshll.u32 s23, $0x6;
	s14 =	sadd.s32 s16, s11;
	[dreg:$0xe] =	wrdreg s5  }
0x17: {  	s4 =	sor.u32 $0x1C03, s12;
	s6 =	simm.s32 $0x3;
	[dreg:$0xf] =	wrdreg s14  }
0x18: {  	[spmem:s15], [sflag:s4] =	dma.local [hbm:s8], $0x400  }
0x19: {  	_ =	swait.ge [sflag:s6], $0x400  }
0x1a: {  	[sflag:s6] =	ssyncset.done $0x0  }
0x1b: {  	[sflag:s6] =	ssyncadd.s32 $0xFFFFFC00  }
0x1c: {  	[bflag:$0x0] =	sbarrier.arrive $0xFFFF  }
0x1d: {  	s7 =	simm.s32 $0x19000;
	s18 =	rddreg [dreg:$0x5]  }
0x1e: {  	[tilespmem:s7], [sflag:$0x1] =	stream.linear.gather [hbm4b:s18+s3], $0x190, $0x38;
	[tilespmem:$0x1B400] =	vst v63  }
0x1f: {  	s9 =	rddreg [dreg:$0x6]  }
0x20: {  	[tilespmem:s3], [sflag:$0x1] =	stream.linear.gather [hbm4b:s9+s3], $0xC800, $0x38;
	[tilespmem:$0x1B400] =	vst v63  }
0x21: {  	s8 =	simm.s32 $0x19200;
	s10 =	rddreg [dreg:$0x7]  }
0x22: {  	[tilespmem:s8], [sflag:$0x2] =	stream.linear.gather [hbm4b:s10+s3], $0x190, $0x38;
	[tilespmem:$0x1B400] =	vst v63  }
0x23: {  	s11 =	rddreg [dreg:$0x8];
	s9 =	simm.s32 $0xC800;
	s10 =	simm.s32 $0x1  }
0x24: {  	[tilespmem:s9], [sflag:$0x2] =	stream.linear.gather [hbm4b:s11+s3], $0xC800, $0x38;
	[tilespmem:$0x1B400] =	vst v63  }
0x25: {  	_ =	swait.ge [sflag:s10], $0x190  }
0x26: {  	[sflag:s10] =	ssyncset.done $0x0  }
0x27: {  	[sflag:s10] =	ssyncadd.s32 $0xFFFFFE70  }
0x28: {  	_ =	swait.ge [sflag:s10], $0xC800  }
0x29: {  	[sflag:s10] =	ssyncset.done $0x0  }
0x2a: {  	s11 =	simm.s32 $0x190;
	[sflag:s10] =	ssyncadd.s32 $0xFFFF3800  }
0x2b: {  	[spmem:s2] =	stream.indirect.scatter.add.f32 [tilespmem:s3], [sflag:$0x3], $0x80, s7, s11, $0xb8;
	[tilespmem:$0x1B400] =	vst v63  }
0x2c: {  	_ =	swait.ge [sflag:s6], $0xC800  }
0x2d: {  	[sflag:s6] =	ssyncset.done $0x0  }
0x2e: {  	s12 =	rddreg [dreg:$0x9];
	[sflag:s6] =	ssyncadd.s32 $0xFFFF3800  }
0x2f: {  	[tilespmem:s7], [sflag:$0x1] =	stream.linear.gather [hbm4b:s12+s3], $0x190, $0x38;
	[tilespmem:$0x1B400] =	vst v63  }
0x30: {  	s14 =	rddreg [dreg:$0xa];
	s12 =	simm.s32 $0x2  }
0x31: {  	[tilespmem:s3], [sflag:$0x1] =	stream.linear.gather [hbm4b:s14+s3], $0xC800, $0x38;
	[tilespmem:$0x1B400] =	vst v63  }
0x32: {  	_ =	swait.ge [sflag:s12], $0x190  }
0x33: {  	[sflag:s12] =	ssyncset.done $0x0  }
0x34: {  	[sflag:s12] =	ssyncadd.s32 $0xFFFFFE70  }
0x35: {  	_ =	swait.ge [sflag:s12], $0xC800  }
0x36: {  	[sflag:s12] =	ssyncset.done $0x0  }
0x37: {  	[sflag:s12] =	ssyncadd.s32 $0xFFFF3800  }
0x38: {  	[spmem:s2] =	stream.indirect.scatter.add.f32 [tilespmem:s9], [sflag:$0x3], $0x80, s8, s11, $0xb8;
	[tilespmem:$0x1B400] =	vst v63  }
0x39: {  	_ =	swait.ge [sflag:s6], $0xC800  }
0x3a: {  	[sflag:s6] =	ssyncset.done $0x0  }
0x3b: {  	s20 =	rddreg [dreg:$0xb];
	[sflag:s6] =	ssyncadd.s32 $0xFFFF3800  }
0x3c: {  	[tilespmem:s8], [sflag:$0x2] =	stream.linear.gather [hbm4b:s20+s3], $0x190, $0x38;
	[tilespmem:$0x1B400] =	vst v63  }
0x3d: {  	s15 =	rddreg [dreg:$0xc]  }
0x3e: {  	[tilespmem:s9], [sflag:$0x2] =	stream.linear.gather [hbm4b:s15+s3], $0xC800, $0x38;
	[tilespmem:$0x1B400] =	vst v63  }
0x3f: {  	_ =	swait.ge [sflag:s10], $0x190  }
0x40: {  	[sflag:s10] =	ssyncset.done $0x0  }
0x41: {  	[sflag:s10] =	ssyncadd.s32 $0xFFFFFE70  }
0x42: {  	_ =	swait.ge [sflag:s10], $0xC800  }
0x43: {  	[sflag:s10] =	ssyncset.done $0x0  }
0x44: {  	[sflag:s10] =	ssyncadd.s32 $0xFFFF3800  }
0x45: {  	[spmem:s2] =	stream.indirect.scatter.add.f32 [tilespmem:s3], [sflag:$0x3], $0x80, s7, s11, $0xb8;
	[tilespmem:$0x1B400] =	vst v63  }
0x46: {  	_ =	swait.ge [sflag:s6], $0xC800  }
0x47: {  	[sflag:s6] =	ssyncset.done $0x0  }
0x48: {  	s21 =	rddreg [dreg:$0xd];
	[sflag:s6] =	ssyncadd.s32 $0xFFFF3800  }
0x49: {  	[tilespmem:s7], [sflag:$0x1] =	stream.linear.gather [hbm4b:s21+s3], $0x190, $0x38;
	[tilespmem:$0x1B400] =	vst v63  }
0x4a: {  	s22 =	rddreg [dreg:$0xe]  }
0x4b: {  	[tilespmem:s3], [sflag:$0x1] =	stream.linear.gather [hbm4b:s22+s3], $0xC800, $0x38;
	[tilespmem:$0x1B400] =	vst v63  }
0x4c: {  	_ =	swait.ge [sflag:s12], $0x190  }
0x4d: {  	[sflag:s12] =	ssyncset.done $0x0  }
0x4e: {  	[sflag:s12] =	ssyncadd.s32 $0xFFFFFE70  }
0x4f: {  	_ =	swait.ge [sflag:s12], $0xC800  }
0x50: {  	[sflag:s12] =	ssyncset.done $0x0  }
0x51: {  	[sflag:s12] =	ssyncadd.s32 $0xFFFF3800  }
0x52: {  	[spmem:s2] =	stream.indirect.scatter.add.f32 [tilespmem:s9], [sflag:$0x3], $0x80, s8, s11, $0xb8;
	[tilespmem:$0x1B400] =	vst v63  }
0x53: {  	_ =	swait.ge [sflag:s6], $0xC800  }
0x54: {  	[sflag:s6] =	ssyncset.done $0x0  }
0x55: {  	s13 =	smul.u32 $0x1900, s13;
	s24 =	rddreg [dreg:$0xf];
	[sflag:s6] =	ssyncadd.s32 $0xFFFF3800  }
0x56: {  	[tilespmem:s8], [sflag:$0x2] =	stream.linear.gather [hbm4b:s24+s3], $0x190, $0x38;
	[tilespmem:$0x1B400] =	vst v63  }
0x57: {  	s13 =	sadd.s32 s19, s13  }
0x58: {  	[tilespmem:s9], [sflag:$0x2] =	stream.linear.gather [hbm4b:s13+s3], $0xC800, $0x38;
	[tilespmem:$0x1B400] =	vst v63  }
0x59: {  	_ =	swait.ge [sflag:s10], $0x190  }
0x5a: {  	[sflag:s10] =	ssyncset.done $0x0  }
0x5b: {  	[sflag:s10] =	ssyncadd.s32 $0xFFFFFE70  }
0x5c: {  	_ =	swait.ge [sflag:s10], $0xC800  }
0x5d: {  	[sflag:s10] =	ssyncset.done $0x0  }
0x5e: {  	s25 =	sor.u32 $0xC0, s17;
	[sflag:s10] =	ssyncadd.s32 $0xFFFF3800  }
0x5f: {  	[spmem:s2] =	stream.indirect.scatter.add.f32 [tilespmem:s3], [sflag:$0x3], $0x80, s7, s11, $0xb8;
	[tilespmem:$0x1B400] =	vst v63  }
0x60: {  	s26 =	smul.u32 $0x32, s25;
	_ =	swait.ge [sflag:s6], $0xC800  }
0x61: {  	[sflag:s6] =	ssyncset.done $0x0  }
0x62: {  	s14 =	sadd.s32 s16, s26;
	s15 =	smul.u32 $0x1900, s25;
	[sflag:s6] =	ssyncadd.s32 $0xFFFF3800  }
0x63: {  	[tilespmem:s7], [sflag:$0x1] =	stream.linear.gather [hbm4b:s14+s3], $0x190, $0x38;
	[tilespmem:$0x1B400] =	vst v63  }
0x64: {  	s15 =	sadd.s32 s19, s15  }
0x65: {  	[tilespmem:s3], [sflag:$0x1] =	stream.linear.gather [hbm4b:s15+s3], $0xC800, $0x38;
	[tilespmem:$0x1B400] =	vst v63  }
0x66: {  	_ =	swait.ge [sflag:s12], $0x190  }
0x67: {  	[sflag:s12] =	ssyncset.done $0x0  }
0x68: {  	[sflag:s12] =	ssyncadd.s32 $0xFFFFFE70  }
0x69: {  	_ =	swait.ge [sflag:s12], $0xC800  }
0x6a: {  	s17 =	sor.u32 $0xE0, s17;
	[sflag:s12] =	ssyncset.done $0x0  }
0x6b: {  	s18 =	smul.u32 $0x32, s17;
	[sflag:s12] =	ssyncadd.s32 $0xFFFF3800  }
0x6c: {  	[spmem:s2] =	stream.indirect.scatter.add.f32 [tilespmem:s9], [sflag:$0x3], $0x80, s8, s11, $0xb8;
	[tilespmem:$0x1B400] =	vst v63  }
0x6d: {  	p0 =	slt.u32 s23, $0xD;
	_ =	swait.ge [sflag:s6], $0xC800  }
0x6e: {  	s16 =	sadd.s32 s16, s18;
	s18 =	simm.s32 @p0 $0x19200;
	[sflag:s6] =	ssyncset.done $0x0  }
0x6f: {  	s20 =	smul.u32 $0x1900, s17;
	s17 =	simm.s32 @p0 $0x0;
	[sflag:s6] =	ssyncadd.s32 $0xFFFF3800  }
0x70: {  	[tilespmem:s18], [sflag:$0x2] =	stream.linear.gather @p0 [hbm4b:s16+s17], $0x190, $0x38;
	[tilespmem:$0x1B400] =	vst v63  }
0x71: {  	s19 =	sadd.s32 s19, s20;
	s20 =	simm.s32 @p0 $0xC800;
	s21 =	simm.s32 @p0 $0x1  }
0x72: {  	[tilespmem:s20], [sflag:$0x2] =	stream.linear.gather @p0 [hbm4b:s19+s17], $0xC800, $0x38;
	[tilespmem:$0x1B400] =	vst v63  }
0x73: {  	_ =	swait.ge @p0 [sflag:s21], $0x190  }
0x74: {  	[sflag:s21] =	ssyncset.done @p0 $0x0  }
0x75: {  	[sflag:s21] =	ssyncadd.s32 @p0 $0xFFFFFE70  }
0x76: {  	_ =	swait.ge @p0 [sflag:s21], $0xC800  }
0x77: {  	[sflag:s21] =	ssyncset.done @p0 $0x0  }
0x78: {  	s22 =	simm.s32 @p0 $0x190;
	s24 =	simm.s32 @p0 $0x19000;
	[sflag:s21] =	ssyncadd.s32 @p0 $0xFFFF3800  }
0x79: {  	[spmem:s2] =	stream.indirect.scatter.add.f32 @p0 [tilespmem:s17], [sflag:$0x3], $0x80, s24, s22, $0xb8;
	[tilespmem:$0x1B400] =	vst v63  }
0x7a: {  	s24 =	simm.s32 @p0 $0x3  }
0x7b: {  	_ =	swait.ge @p0 [sflag:s24], $0xC800  }
0x7c: {  	[sflag:s24] =	ssyncset.done @p0 $0x0  }
0x7d: {  	s25 =	simm.s32 @p0 $0x2;
	[sflag:s24] =	ssyncadd.s32 @p0 $0xFFFF3800  }
0x7e: {  	_ =	swait.ge @p0 [sflag:s25], $0x190  }
0x7f: {  	[sflag:s25] =	ssyncset.done @p0 $0x0  }
0x80: {  	[sflag:s25] =	ssyncadd.s32 @p0 $0xFFFFFE70  }
0x81: {  	_ =	swait.ge @p0 [sflag:s25], $0xC800  }
0x82: {  	[sflag:s25] =	ssyncset.done @p0 $0x0  }
0x83: {  	[sflag:s25] =	ssyncadd.s32 @p0 $0xFFFF3800  }
0x84: {  	[spmem:s2] =	stream.indirect.scatter.add.f32 @p0 [tilespmem:s20], [sflag:$0x3], $0x80, s18, s22, $0xb8;
	[tilespmem:$0x1B400] =	vst v63  }
0x85: {  	p1 =	sne.s32 @p0 s23, $0x0;
	_ =	swait.ge @p0 [sflag:s24], $0xC800  }
0x86: {  	p1 =	por p1, !p0;
	s5 =	sshll.u32 s0, $0xE;
	[sflag:s24] =	ssyncset.done @p0 $0x0  }
0x87: {  	s28 =	sshrl.u32 @!p1 s2, $0x3;
	s1 =	sadd.s32 s5, s1;
	[sflag:s24] =	ssyncadd.s32 @p0 $0xFFFF3800  }
0x88: {  	s29 =	simm.s32 @!p1 $0x3;
	s26 =	sadd.s32 $0x18C000, s1;
	[bflag:$0x0] =	sbarrier.arrive @p0 $0xFFFF  }
0x89: {  	[hbm:s26], [sflag:s4] =	dma.local @!p1 [spmem:s28], $0x4000  }
0x8a: {  	_ =	swait.ge @!p1 [sflag:s29], $0x4000  }
0x8b: {  	[sflag:s29] =	ssyncset.done @!p1 $0x0  }
0x8c: {  	s30 =	simm.s32 @!p0 $0x1;
	s0 =	ssub.s32 $0x2, s0;
	[sflag:s29] =	ssyncadd.s32 @!p1 $0xFFFFC000  }
0x8d: {  	s23 =	sshrl.u32 s0, $0x1;
	_ =	swait.ge @!p0 [sflag:s30], $0x190  }
0x8e: {  	s23 =	ssub.s32 s0, s23;
	[sflag:s30] =	ssyncset.done @!p0 $0x0  }
0x8f: {  	s5 =	simm.s32 @!p0 $0x190;
	s31 =	smax.u32 s23, $0x1;
	[sflag:s30] =	ssyncadd.s32 @!p0 $0xFFFFFE70  }
0x90: {  	s0 =	simm.s32 @!p0 $0x19000;
	s31 =	sadd.s32 $0xFFFFFFFF, s31;
	_ =	swait.ge @!p0 [sflag:s30], $0xC800  }
0x91: {  	s23 =	simm.s32 @!p0 $0x3;
	p2 =	sne.s32 s31, $0x0;
	[sflag:s30] =	ssyncset.done @!p0 $0x0  }
.Ltmp0:
0x92: {  	s1 =	simm.s32 @!p0 $0x0;
	[sflag:s30] =	ssyncadd.s32 @!p0 $0xFFFF3800;
	(pc) =	sbr.rel @!p2 .LBB2_2-.Ltmp0, $4  }
0x93: {  	[spmem:s2] =	stream.indirect.scatter.add.f32 @!p0 [tilespmem:s1], [sflag:$0x3], $0x80, s0, s5, $0xb8;
	[tilespmem:$0x1B400] =	vst v63  }
0x94: {  	_ =	swait.ge @!p0 [sflag:s23], $0xC800  }
0x95: {  	[sflag:s23] =	ssyncset.done @!p0 $0x0  }
0x96: {  	[sflag:s23] =	ssyncadd.s32 @!p0 $0xFFFF3800  }
.LBB2_1:
0x97: {  	[bflag:$0x0] =	sbarrier.arrive @!p0 $0xFFFF  }
0x98: {  	s0 =	rddreg [dreg:$0x4]  }
0x99: {  	s1 =	rddreg [dreg:$0x10]  }
0x9a: {  	[spmem:s1], [sflag:s4] =	dma.local [hbm:s0], $0x400  }
0x9b: {  	_ =	swait.ge [sflag:s6], $0x400  }
0x9c: {  	[sflag:s6] =	ssyncset.done $0x0  }
0x9d: {  	[sflag:s6] =	ssyncadd.s32 $0xFFFFFC00  }
0x9e: {  	[bflag:$0x0] =	sbarrier.arrive $0xFFFF  }
0x9f: {  	s1 =	rddreg [dreg:$0x5]  }
0xa0: {  	[tilespmem:s7], [sflag:$0x1] =	stream.linear.gather [hbm4b:s1+s3], $0x190, $0x38;
	[tilespmem:$0x1B400] =	vst v63  }
0xa1: {  	s5 =	rddreg [dreg:$0x6]  }
0xa2: {  	[tilespmem:s3], [sflag:$0x1] =	stream.linear.gather [hbm4b:s5+s3], $0xC800, $0x38;
	[tilespmem:$0x1B400] =	vst v63  }
0xa3: {  	s0 =	rddreg [dreg:$0x7]  }
0xa4: {  	[tilespmem:s8], [sflag:$0x2] =	stream.linear.gather [hbm4b:s0+s3], $0x190, $0x38;
	[tilespmem:$0x1B400] =	vst v63  }
0xa5: {  	s5 =	rddreg [dreg:$0x8]  }
0xa6: {  	[tilespmem:s9], [sflag:$0x2] =	stream.linear.gather [hbm4b:s5+s3], $0xC800, $0x38;
	[tilespmem:$0x1B400] =	vst v63  }
0xa7: {  	_ =	swait.ge [sflag:s10], $0x190  }
0xa8: {  	[sflag:s10] =	ssyncset.done $0x0  }
0xa9: {  	[sflag:s10] =	ssyncadd.s32 $0xFFFFFE70  }
0xaa: {  	_ =	swait.ge [sflag:s10], $0xC800  }
0xab: {  	[sflag:s10] =	ssyncset.done $0x0  }
0xac: {  	[sflag:s10] =	ssyncadd.s32 $0xFFFF3800  }
0xad: {  	[spmem:s2] =	stream.indirect.scatter.add.f32 [tilespmem:s3], [sflag:$0x3], $0x80, s7, s11, $0xb8;
	[tilespmem:$0x1B400] =	vst v63  }
0xae: {  	_ =	swait.ge [sflag:s6], $0xC800  }
0xaf: {  	[sflag:s6] =	ssyncset.done $0x0  }
0xb0: {  	s1 =	rddreg [dreg:$0x9];
	[sflag:s6] =	ssyncadd.s32 $0xFFFF3800  }
0xb1: {  	[tilespmem:s7], [sflag:$0x1] =	stream.linear.gather [hbm4b:s1+s3], $0x190, $0x38;
	[tilespmem:$0x1B400] =	vst v63  }
0xb2: {  	s5 =	rddreg [dreg:$0xa]  }
0xb3: {  	[tilespmem:s3], [sflag:$0x1] =	stream.linear.gather [hbm4b:s5+s3], $0xC800, $0x38;
	[tilespmem:$0x1B400] =	vst v63  }
0xb4: {  	_ =	swait.ge [sflag:s12], $0x190  }
0xb5: {  	[sflag:s12] =	ssyncset.done $0x0  }
0xb6: {  	[sflag:s12] =	ssyncadd.s32 $0xFFFFFE70  }
0xb7: {  	_ =	swait.ge [sflag:s12], $0xC800  }
0xb8: {  	[sflag:s12] =	ssyncset.done $0x0  }
0xb9: {  	[sflag:s12] =	ssyncadd.s32 $0xFFFF3800  }
0xba: {  	[spmem:s2] =	stream.indirect.scatter.add.f32 [tilespmem:s9], [sflag:$0x3], $0x80, s8, s11, $0xb8;
	[tilespmem:$0x1B400] =	vst v63  }
0xbb: {  	_ =	swait.ge [sflag:s6], $0xC800  }
0xbc: {  	[sflag:s6] =	ssyncset.done $0x0  }
0xbd: {  	s1 =	rddreg [dreg:$0xb];
	[sflag:s6] =	ssyncadd.s32 $0xFFFF3800  }
0xbe: {  	[tilespmem:s8], [sflag:$0x2] =	stream.linear.gather [hbm4b:s1+s3], $0x190, $0x38;
	[tilespmem:$0x1B400] =	vst v63  }
0xbf: {  	s5 =	rddreg [dreg:$0xc]  }
0xc0: {  	[tilespmem:s9], [sflag:$0x2] =	stream.linear.gather [hbm4b:s5+s3], $0xC800, $0x38;
	[tilespmem:$0x1B400] =	vst v63  }
0xc1: {  	_ =	swait.ge [sflag:s10], $0x190  }
0xc2: {  	[sflag:s10] =	ssyncset.done $0x0  }
0xc3: {  	[sflag:s10] =	ssyncadd.s32 $0xFFFFFE70  }
0xc4: {  	_ =	swait.ge [sflag:s10], $0xC800  }
0xc5: {  	[sflag:s10] =	ssyncset.done $0x0  }
0xc6: {  	[sflag:s10] =	ssyncadd.s32 $0xFFFF3800  }
0xc7: {  	[spmem:s2] =	stream.indirect.scatter.add.f32 [tilespmem:s3], [sflag:$0x3], $0x80, s7, s11, $0xb8;
	[tilespmem:$0x1B400] =	vst v63  }
0xc8: {  	_ =	swait.ge [sflag:s6], $0xC800  }
0xc9: {  	[sflag:s6] =	ssyncset.done $0x0  }
0xca: {  	s1 =	rddreg [dreg:$0xd];
	[sflag:s6] =	ssyncadd.s32 $0xFFFF3800  }
0xcb: {  	[tilespmem:s7], [sflag:$0x1] =	stream.linear.gather [hbm4b:s1+s3], $0x190, $0x38;
	[tilespmem:$0x1B400] =	vst v63  }
0xcc: {  	s5 =	rddreg [dreg:$0xe]  }
0xcd: {  	[tilespmem:s3], [sflag:$0x1] =	stream.linear.gather [hbm4b:s5+s3], $0xC800, $0x38;
	[tilespmem:$0x1B400] =	vst v63  }
0xce: {  	_ =	swait.ge [sflag:s12], $0x190  }
0xcf: {  	[sflag:s12] =	ssyncset.done $0x0  }
0xd0: {  	[sflag:s12] =	ssyncadd.s32 $0xFFFFFE70  }
0xd1: {  	_ =	swait.ge [sflag:s12], $0xC800  }
0xd2: {  	[sflag:s12] =	ssyncset.done $0x0  }
0xd3: {  	[sflag:s12] =	ssyncadd.s32 $0xFFFF3800  }
0xd4: {  	[spmem:s2] =	stream.indirect.scatter.add.f32 [tilespmem:s9], [sflag:$0x3], $0x80, s8, s11, $0xb8;
	[tilespmem:$0x1B400] =	vst v63  }
0xd5: {  	_ =	swait.ge [sflag:s6], $0xC800  }
0xd6: {  	[sflag:s6] =	ssyncset.done $0x0  }
0xd7: {  	s5 =	rddreg [dreg:$0xf];
	[sflag:s6] =	ssyncadd.s32 $0xFFFF3800  }
0xd8: {  	[tilespmem:s8], [sflag:$0x2] =	stream.linear.gather [hbm4b:s5+s3], $0x190, $0x38;
	[tilespmem:$0x1B400] =	vst v63  }
0xd9: {  	_ = 	snop  }
0xda: {  	[tilespmem:s9], [sflag:$0x2] =	stream.linear.gather [hbm4b:s13+s3], $0xC800, $0x38;
	[tilespmem:$0x1B400] =	vst v63  }
0xdb: {  	_ =	swait.ge [sflag:s10], $0x190  }
0xdc: {  	[sflag:s10] =	ssyncset.done $0x0  }
0xdd: {  	[sflag:s10] =	ssyncadd.s32 $0xFFFFFE70  }
0xde: {  	_ =	swait.ge [sflag:s10], $0xC800  }
0xdf: {  	[sflag:s10] =	ssyncset.done $0x0  }
0xe0: {  	[sflag:s10] =	ssyncadd.s32 $0xFFFF3800  }
0xe1: {  	[spmem:s2] =	stream.indirect.scatter.add.f32 [tilespmem:s3], [sflag:$0x3], $0x80, s7, s11, $0xb8;
	[tilespmem:$0x1B400] =	vst v63  }
0xe2: {  	_ =	swait.ge [sflag:s6], $0xC800  }
0xe3: {  	[sflag:s6] =	ssyncset.done $0x0  }
0xe4: {  	[sflag:s6] =	ssyncadd.s32 $0xFFFF3800  }
0xe5: {  	[tilespmem:s7], [sflag:$0x1] =	stream.linear.gather [hbm4b:s14+s3], $0x190, $0x38;
	[tilespmem:$0x1B400] =	vst v63  }
0xe6: {  	_ = 	snop  }
0xe7: {  	[tilespmem:s3], [sflag:$0x1] =	stream.linear.gather [hbm4b:s15+s3], $0xC800, $0x38;
	[tilespmem:$0x1B400] =	vst v63  }
0xe8: {  	_ =	swait.ge [sflag:s12], $0x190  }
0xe9: {  	[sflag:s12] =	ssyncset.done $0x0  }
0xea: {  	[sflag:s12] =	ssyncadd.s32 $0xFFFFFE70  }
0xeb: {  	_ =	swait.ge [sflag:s12], $0xC800  }
0xec: {  	[sflag:s12] =	ssyncset.done $0x0  }
0xed: {  	[sflag:s12] =	ssyncadd.s32 $0xFFFF3800  }
0xee: {  	[spmem:s2] =	stream.indirect.scatter.add.f32 [tilespmem:s9], [sflag:$0x3], $0x80, s8, s11, $0xb8;
	[tilespmem:$0x1B400] =	vst v63  }
0xef: {  	_ =	swait.ge [sflag:s6], $0xC800  }
0xf0: {  	[sflag:s6] =	ssyncset.done $0x0  }
0xf1: {  	[sflag:s6] =	ssyncadd.s32 $0xFFFF3800  }
0xf2: {  	[tilespmem:s18], [sflag:$0x2] =	stream.linear.gather @p0 [hbm4b:s16+s17], $0x190, $0x38;
	[tilespmem:$0x1B400] =	vst v63  }
0xf3: {  	_ = 	snop  }
0xf4: {  	[tilespmem:s20], [sflag:$0x2] =	stream.linear.gather @p0 [hbm4b:s19+s17], $0xC800, $0x38;
	[tilespmem:$0x1B400] =	vst v63  }
0xf5: {  	_ =	swait.ge @p0 [sflag:s21], $0x190  }
0xf6: {  	[sflag:s21] =	ssyncset.done @p0 $0x0  }
0xf7: {  	[sflag:s21] =	ssyncadd.s32 @p0 $0xFFFFFE70  }
0xf8: {  	_ =	swait.ge @p0 [sflag:s21], $0xC800  }
0xf9: {  	[sflag:s21] =	ssyncset.done @p0 $0x0  }
0xfa: {  	s0 =	simm.s32 @p0 $0x19000;
	[sflag:s21] =	ssyncadd.s32 @p0 $0xFFFF3800  }
0xfb: {  	[spmem:s2] =	stream.indirect.scatter.add.f32 @p0 [tilespmem:s17], [sflag:$0x3], $0x80, s0, s22, $0xb8;
	[tilespmem:$0x1B400] =	vst v63  }
0xfc: {  	_ =	swait.ge @p0 [sflag:s24], $0xC800  }
0xfd: {  	[sflag:s24] =	ssyncset.done @p0 $0x0  }
0xfe: {  	[sflag:s24] =	ssyncadd.s32 @p0 $0xFFFF3800  }
0xff: {  	_ =	swait.ge @p0 [sflag:s25], $0x190  }
0x100: {  	[sflag:s25] =	ssyncset.done @p0 $0x0  }
0x101: {  	[sflag:s25] =	ssyncadd.s32 @p0 $0xFFFFFE70  }
0x102: {  	_ =	swait.ge @p0 [sflag:s25], $0xC800  }
0x103: {  	[sflag:s25] =	ssyncset.done @p0 $0x0  }
0x104: {  	[sflag:s25] =	ssyncadd.s32 @p0 $0xFFFF3800  }
0x105: {  	[spmem:s2] =	stream.indirect.scatter.add.f32 @p0 [tilespmem:s20], [sflag:$0x3], $0x80, s18, s22, $0xb8;
	[tilespmem:$0x1B400] =	vst v63  }
0x106: {  	_ =	swait.ge @p0 [sflag:s24], $0xC800  }
0x107: {  	[sflag:s24] =	ssyncset.done @p0 $0x0  }
0x108: {  	[sflag:s24] =	ssyncadd.s32 @p0 $0xFFFF3800  }
0x109: {  	[bflag:$0x0] =	sbarrier.arrive @p0 $0xFFFF  }
0x10a: {  	[hbm:s26], [sflag:s4] =	dma.local @!p1 [spmem:s28], $0x4000  }
0x10b: {  	_ =	swait.ge @!p1 [sflag:s29], $0x4000  }
0x10c: {  	[sflag:s29] =	ssyncset.done @!p1 $0x0  }
0x10d: {  	[sflag:s29] =	ssyncadd.s32 @!p1 $0xFFFFC000  }
0x10e: {  	_ =	swait.ge @!p0 [sflag:s30], $0x190  }
0x10f: {  	[sflag:s30] =	ssyncset.done @!p0 $0x0  }
0x110: {  	s31 =	sadd.s32 $0xFFFFFFFF, s31;
	[sflag:s30] =	ssyncadd.s32 @!p0 $0xFFFFFE70  }
0x111: {  	p2 =	sne.s32 s31, $0x0;
	_ =	swait.ge @!p0 [sflag:s30], $0xC800  }
0x112: {  	s1 =	simm.s32 @!p0 $0x0;
	s5 =	simm.s32 @!p0 $0x190;
	[sflag:s30] =	ssyncset.done @!p0 $0x0  }
.Ltmp1:
0x113: {  	s0 =	simm.s32 @!p0 $0x19000;
	[sflag:s30] =	ssyncadd.s32 @!p0 $0xFFFF3800;
	(pc) =	sbr.rel @p2 .LBB2_1-.Ltmp1, $4  }
0x114: {  	[spmem:s2] =	stream.indirect.scatter.add.f32 @!p0 [tilespmem:s1], [sflag:$0x3], $0x80, s0, s5, $0xb8;
	[tilespmem:$0x1B400] =	vst v63  }
0x115: {  	_ =	swait.ge @!p0 [sflag:s23], $0xC800  }
0x116: {  	[sflag:s23] =	ssyncset.done @!p0 $0x0  }
0x117: {  	[sflag:s23] =	ssyncadd.s32 @!p0 $0xFFFF3800  }
.LBB2_2:
0x118: {  	[bflag:$0x0] =	sbarrier.arrive @!p0 $0xFFFF  }
0x119: {  	_ =	sfence.sel $0x180000  }
0x11a: {  	[bflag:$0x0] =	sbarrier.arrive $0xFFFF  }
0x11b: {  	_ =	strace $0x90000047  }
0x11c: {  	s0 =	stileid.u32;
	[bflag:$0x2] =	sbarrier.arrive $0xFFFF  }
0x11d: {  	p0 =	sne.s32 s0, $0x0;
	s0 =	rddreg [dreg:$0x3]  }
0x11e: {  	s0 =	sadd.s32 @!p0 $0x100000, s0  }
0x11f: {  	[sflag:s0] =	ssyncadd.tile.s32 @!p0 $0x1;
	_ =	shalt  }
.Lfunc_end2:
_tile_overlayer_lowered:
.L_overlay_start_2:
0x120: {  	(tag) =	ssettag $0x2  }
0x121: {  	s0 =	rddreg [dreg:$0x0];
	s2 =	stileid.u32  }
0x122: {  	s1 =	rddreg [dreg:$0x1];
	p0 =	sne.s32 s2, $0x0  }
0x123: {  	s3 =	rddreg [dreg:$0x2];
	[bflag:$0x3] =	sbarrier.arrive $0xFFFF;
	s2 =	simm.s32 @!p0 $0x1C03  }
0x124: {  	[timem:s3], [sflag:s2] =	dma.local @!p0 [hbm:s0], s1  }
0x125: {  	s0 =	simm.s32 @!p0 $0x3  }
0x126: {  	_ =	swait.ge @!p0 [sflag:s0], s1  }
0x127: {  	s1 =	ssub.s32 @!p0 $0x0, s1;
	[sflag:s0] =	ssyncset.done @!p0 $0x0  }
0x128: {  	[sflag:s0] =	ssyncadd.s32 @!p0 s1  }
0x129: {  	[bflag:$0x3] =	sbarrier.arrive $0xFFFF  }
0x12a: {  	_ =	shalt  }

</sc_bundles>
